<compile_context>
chip_gen: v7x
topology: tpu7x:2x2x1
jax: 0.10.2.dev20260603
libtpu: 0.0.44.dev20260713+nightly
codegen_flags: <defaults>
</compile_context>

<pallas_src>
import functools

import jax
import jax.numpy as jnp
from jax import lax
from jax.experimental import pallas as pl
from jax.experimental.pallas import tpu as pltpu
from jax.experimental.pallas import tpu_sc as plsc

B, D, T = 8, 512, 2048
NC, NS, L = 2, 16, 16
NW = NC * NS
DCH = D // NW
TCHUNK = 256
NTB = 8

_mesh = plsc.VectorSubcoreMesh(core_axis_name="c", subcore_axis_name="s")


@functools.partial(
    pl.kernel,
    mesh=_mesh,
    out_type=jax.ShapeDtypeStruct((B, D), jnp.float32),
    scratch_types=[
        pltpu.VMEM((2, DCH, T), jnp.float32),
        pltpu.VMEM((B * DCH,), jnp.float32),
        pltpu.VMEM((2 * L,), jnp.int32),
        pltpu.SemaphoreType.DMA((2,)),
        pltpu.SemaphoreType.DMA,
    ],
)
def _pool_kernel(x_hbm, len_hbm, out_hbm, buf, outv, lenv, sems, semo):
    wid = lax.axis_index("s") * NC + lax.axis_index("c")
    d0 = wid * DCH
    pltpu.async_copy(
        x_hbm.at[0, pl.ds(d0, DCH), pl.ds(0, TCHUNK)],
        buf.at[0, :, pl.ds(0, TCHUNK)],
        sems.at[0],
    )
    pltpu.sync_copy(len_hbm, lenv.at[pl.ds(0, B)])
    lane = jnp.arange(L, dtype=jnp.int32)
    neg_inf = jnp.full((L,), -jnp.inf, dtype=jnp.float32)

    def nch_of(b):
        n = lenv[pl.ds(b, L)][0]
        return n, (n + (TCHUNK - 1)) // TCHUNK

    def fire(b, n, nch, first=0):
        pb = b % 2

        def c_body(c, carry):
            pltpu.async_copy(
                x_hbm.at[b, pl.ds(d0, DCH), pl.ds(c * TCHUNK, TCHUNK)],
                buf.at[pb, :, pl.ds(c * TCHUNK, TCHUNK)],
                sems.at[pb],
            )
            return carry

        lax.fori_loop(first, nch, c_body, 0)

    def drain(b, nch):
        pb = b % 2

        def c_body(c, carry):
            pltpu.make_async_copy(
                x_hbm.at[b, pl.ds(d0, DCH), pl.ds(c * TCHUNK, TCHUNK)],
                buf.at[pb, :, pl.ds(c * TCHUNK, TCHUNK)],
                sems.at[pb],
            ).wait()
            return carry

        lax.fori_loop(0, nch, c_body, 0)

    def compute(b, n):
        pb = b % 2
        nu = n // (NTB * L)
        tb = jnp.minimum(nu * (NTB * L), T - NTB * L)
        masks = [(tb + (i * L) + lane) < n for i in range(NTB)]

        def row_body(rr, ovec):
            rows = [4 * rr + j for j in range(4)]

            def k_body(k, accs):
                accs = list(accs)
                base = k * (NTB * L)
                for i in range(NTB):
                    for j in range(4):
                        x = buf[pb, rows[j], pl.ds(base + i * L, L)]
                        c = 2 * j + (i % 2)
                        accs[c] = jnp.maximum(accs[c], x)
                return tuple(accs)

            accs = lax.fori_loop(0, nu, k_body, (neg_inf,) * 8)
            accs = list(accs)
            for i in range(NTB):
                for j in range(4):
                    x = buf[pb, rows[j], pl.ds(tb + i * L, L)]
                    x = jnp.where(masks[i], x, neg_inf)
                    c = 2 * j + (i % 2)
                    accs[c] = jnp.maximum(accs[c], x)
            folded = [jnp.maximum(accs[2 * j], accs[2 * j + 1]) for j in range(4)]
            for s in (8, 4, 2, 1):
                folded = [
                    jnp.maximum(a, jnp.take_along_axis(a, lane ^ s, axis=0))
                    for a in folded
                ]
            for j in range(4):
                ovec = jnp.where(lane == rows[j], folded[j], ovec)
            return ovec

        ovec = lax.fori_loop(0, DCH // 4, row_body, neg_inf)
        outv[pl.ds(b * DCH, DCH)] = ovec
        pltpu.async_copy(
            outv.at[pl.ds(b * DCH, DCH)],
            out_hbm.at[b, pl.ds(d0, DCH)],
            semo,
        )

    n0, nch0 = nch_of(0)
    fire(0, n0, nch0, first=1)

    def batch_body(b, state):
        n, nch = state
        nxt = lax.cond(
            b + 1 < B, lambda: nch_of(b + 1), lambda: (n, jnp.int32(0))
        )
        fire(b + 1, *nxt)
        drain(b, nch)
        compute(b, n)
        return nxt

    lax.fori_loop(0, B, batch_body, (n0, nch0))

    def out_drain(b, carry):
        pltpu.make_async_copy(
            outv.at[pl.ds(b * DCH, DCH)],
            out_hbm.at[b, pl.ds(d0, DCH)],
            semo,
        ).wait()
        return carry

    lax.fori_loop(0, B, out_drain, 0)


def kernel(x0, x1, x2):
    del x1
    return _pool_kernel(x0, x2.astype(jnp.int32))

# --- scband reference (transcript-rebuilt; emitter-appended) ---
"""Pipeline reference for scband-dynamic-pooling-69157563400283 (READ-ONLY COPY).

The authoritative reference and input builder live on the scoring server;
editing this copy changes nothing except your own understanding.
"""

import jax, jax.numpy as jnp
import numpy as np

B, D, T = 8, 512, 2048

def setup_inputs(seed: int = 0) -> dict:
    key = jax.random.key(seed)
    k0, k1 = jax.random.split(key)
    x0 = jax.random.normal(k0, (B, D, T), dtype=jnp.float32)
    x1 = jnp.zeros((1,), dtype=jnp.float32)  # unused placeholder (x[1] in original tuple)
    # lengths per batch element, in [1, T] so no empty slices (original torch code slices :pos)
    x2 = jax.random.randint(k1, (B,), 1, T + 1).astype(jnp.int64)
    return {"x0": x0, "x1": x1, "x2": x2}

def reference(x0, x1, x2):
    # DynamicPooling.forward with x = (x0, x1, x2):
    # for each batch b: max over time dim of x0[b, :, :x2[b]] -> [B, D]
    # (the else-branch, max over full T, is the special case lengths all equal;
    #  the masked max below reproduces both branches faithfully when lengths==T)
    t_idx = jnp.arange(T)
    mask = t_idx[None, None, :] < x2[:, None, None]  # [B, 1, T] broadcast over D
    neg_inf = jnp.full_like(x0, -jnp.inf)
    masked = jnp.where(mask, x0, neg_inf)
    return jnp.max(masked, axis=2)  # [B, D]

if __name__ == "__main__":
    import jax
    _d = setup_inputs()
    print(jax.jit(kernel)(*tuple(_d.values())))

</pallas_src>

<mosaic_0001>
#map = affine_map<(d0, d1) -> (0, 0, 0)>
#map1 = affine_map<(d0, d1) -> (0)>
#map2 = affine_map<(d0, d1) -> (0, 0)>
module attributes {stable_mosaic.version = 14 : i64} {
  func.func @_pool_kernel(%arg0: i32, %arg1: i32, %arg2: memref<8x512x2048xf32, #tpu.memory_space<hbm>>, %arg3: memref<8xi32, #tpu.memory_space<hbm>>, %arg4: memref<8x512xf32, #tpu.memory_space<hbm>>, %arg5: memref<2x16x2048xf32, #tpu.memory_space<vmem>>, %arg6: memref<128xf32, #tpu.memory_space<vmem>>, %arg7: memref<32xi32, #tpu.memory_space<vmem>>, %arg8: memref<2x!tpu.dma_semaphore, #tpu.memory_space<semaphore_mem>>, %arg9: memref<!tpu.dma_semaphore, #tpu.memory_space<semaphore_mem>>) attributes {dimension_semantics = [#tpu.dimension_semantics<core_parallel>, #tpu.dimension_semantics<subcore_parallel>], iteration_bounds = array<i64: 2, 16>, scalar_prefetch = 0 : i64, scratch_operands = 5 : i64, tpu.core_type = #tpu.core_type<sc_vector_subcore>, window_params = [{transform_indices = #map}, {transform_indices = #map1}, {transform_indices = #map2}]} {
    %mul3A = arith.constant 2 : i32
    %mul3A_0 = arith.muli %arg1, %mul3A : i32
    %add3A = arith.addi %mul3A_0, %arg0 : i32
    %mul3A_1 = arith.constant 16 : i32
    %mul3A_2 = arith.muli %add3A, %mul3A_1 : i32
    %dma_start3A = arith.constant 0 : i32
    %dma_start3A_3 = arith.constant 0 : i32
    %dma_start3A_4 = arith.constant 0 : i32
    %dma_start3A_5 = arith.constant 0 : i32
    %dma_start3A_6 = arith.constant 0 : i32
    %dma_start3A_7 = tpu.memref_slice %arg5[%dma_start3A_3, %dma_start3A_5, %dma_start3A_6] : memref<2x16x2048xf32, #tpu.memory_space<vmem>> -> memref<1x16x256xf32, #tpu.memory_space<vmem>>
    %dma_start3A_8 = tpu.memref_squeeze %dma_start3A_7 : memref<1x16x256xf32, #tpu.memory_space<vmem>> -> memref<16x256xf32, #tpu.memory_space<vmem>>
    %dma_start3A_9 = arith.constant 0 : i32
    %dma_start3A_10 = tpu.memref_slice %arg2[%dma_start3A, %mul3A_2, %dma_start3A_9] : memref<8x512x2048xf32, #tpu.memory_space<hbm>> -> memref<1x16x256xf32, #tpu.memory_space<hbm>>
    %dma_start3A_11 = tpu.memref_squeeze %dma_start3A_10 : memref<1x16x256xf32, #tpu.memory_space<hbm>> -> memref<16x256xf32, #tpu.memory_space<hbm>>
    %dma_start3A_12 = tpu.memref_slice %arg8[%dma_start3A_4] : memref<2x!tpu.dma_semaphore, #tpu.memory_space<semaphore_mem>> -> memref<1x!tpu.dma_semaphore, #tpu.memory_space<semaphore_mem>>
    %dma_start3A_13 = tpu.memref_squeeze %dma_start3A_12 : memref<1x!tpu.dma_semaphore, #tpu.memory_space<semaphore_mem>> -> memref<!tpu.dma_semaphore, #tpu.memory_space<semaphore_mem>>
    %dma_start3A_14 = arith.constant 0 : i32
    %dma_start3A_15 = arith.constant 0 : i32
    %dma_start3A_16 = tpu.memref_slice %arg5[%dma_start3A_3, %dma_start3A_14, %dma_start3A_15] : memref<2x16x2048xf32, #tpu.memory_space<vmem>> -> memref<1x16x256xf32, #tpu.memory_space<vmem>>
    %dma_start3A_17 = tpu.memref_squeeze %dma_start3A_16 : memref<1x16x256xf32, #tpu.memory_space<vmem>> -> memref<16x256xf32, #tpu.memory_space<vmem>>
    %dma_start3A_18 = arith.constant 0 : i32
    %dma_start3A_19 = tpu.memref_slice %arg2[%dma_start3A, %mul3A_2, %dma_start3A_18] : memref<8x512x2048xf32, #tpu.memory_space<hbm>> -> memref<1x16x256xf32, #tpu.memory_space<hbm>>
    %dma_start3A_20 = tpu.memref_squeeze %dma_start3A_19 : memref<1x16x256xf32, #tpu.memory_space<hbm>> -> memref<16x256xf32, #tpu.memory_space<hbm>>
    tpu.enqueue_dma source(%dma_start3A_20 : memref<16x256xf32, #tpu.memory_space<hbm>>) target(%dma_start3A_17 : memref<16x256xf32, #tpu.memory_space<vmem>>) target_semaphore(%dma_start3A_13 : memref<!tpu.dma_semaphore, #tpu.memory_space<semaphore_mem>>)
    "tpu.region"() ({
      %run_scoped3A = tpu.sem_alloc : memref<!tpu.dma_semaphore, #tpu.memory_space<semaphore_mem>>
      %dma_start3A_62 = arith.constant 0 : i32
      %dma_start3A_63 = tpu.memref_slice %arg7[%dma_start3A_62] : memref<32xi32, #tpu.memory_space<vmem>> -> memref<8xi32, #tpu.memory_space<vmem>>
      %dma_start3A_64 = arith.constant 0 : i32
      %dma_start3A_65 = tpu.memref_slice %arg7[%dma_start3A_64] : memref<32xi32, #tpu.memory_space<vmem>> -> memref<8xi32, #tpu.memory_space<vmem>>
      tpu.enqueue_dma source(%arg3 : memref<8xi32, #tpu.memory_space<hbm>>) target(%dma_start3A_65 : memref<8xi32, #tpu.memory_space<vmem>>) target_semaphore(%run_scoped3A : memref<!tpu.dma_semaphore, #tpu.memory_space<semaphore_mem>>)
      %dma_wait3A = arith.constant 0 : i32
      %dma_wait3A_66 = tpu.memref_slice %arg7[%dma_wait3A] : memref<32xi32, #tpu.memory_space<vmem>> -> memref<8xi32, #tpu.memory_space<vmem>>
      %dma_wait3A_67 = arith.constant 0 : i32
      %dma_wait3A_68 = tpu.memref_slice %arg7[%dma_wait3A_67] : memref<32xi32, #tpu.memory_space<vmem>> -> memref<8xi32, #tpu.memory_space<vmem>>
      tpu.wait_dma2 semaphore(%run_scoped3A : memref<!tpu.dma_semaphore, #tpu.memory_space<semaphore_mem>>) src(%arg3 : memref<8xi32, #tpu.memory_space<hbm>>) dst(%dma_wait3A_68 : memref<8xi32, #tpu.memory_space<vmem>>)
      tpu.yield
    }) : () -> ()
    %iota3A = tpu.iota {dimensions = array<i32: 0>} : vector<16xi32>
    %broadcast_in_dim3A = arith.constant 0xFF800000 : f32
    %broadcast_in_dim3A_21 = vector.broadcast %broadcast_in_dim3A : f32 to vector<16xf32>
    %get3A = arith.constant 0 : index
    %get3A_22 = tpu.vector_load %arg7[%get3A] {strides = array<i32>} : memref<32xi32, #tpu.memory_space<vmem>>, vector<16xi32>,
    %get3A_23 = vector.shape_cast %get3A_22 : vector<16xi32> to vector<16xi32>
    %slice3A = vector.extract_strided_slice %get3A_23 {offsets = [0], sizes = [1], strides = [1]} : vector<16xi32> to vector<1xi32>
    %squeeze3A = vector.extract %slice3A[0] : i32 from vector<1xi32>
    %add3A_24 = arith.constant 255 : i32
    %add3A_25 = arith.addi %squeeze3A, %add3A_24 : i32
    %jit3A = arith.constant 256 : i32
    %div3A = arith.divsi %add3A_25, %jit3A : i32
    %sign3A = arith.constant 0 : i32
    %sign3A_26 = arith.cmpi sgt, %add3A_25, %sign3A : i32
    %sign3A_27 = arith.extui %sign3A_26 : i1 to i32
    %sign3A_28 = arith.constant 0 : i32
    %sign3A_29 = arith.cmpi slt, %add3A_25, %sign3A_28 : i32
    %sign3A_30 = arith.extui %sign3A_29 : i1 to i32
    %sign3A_31 = arith.subi %sign3A_27, %sign3A_30 : i32
    %sign3A_32 = arith.constant 0 : i32
    %sign3A_33 = arith.cmpi sgt, %jit3A, %sign3A_32 : i32
    %sign3A_34 = arith.extui %sign3A_33 : i1 to i32
    %sign3A_35 = arith.constant 0 : i32
    %sign3A_36 = arith.cmpi slt, %jit3A, %sign3A_35 : i32
    %sign3A_37 = arith.extui %sign3A_36 : i1 to i32
    %sign3A_38 = arith.subi %sign3A_34, %sign3A_37 : i32
    %ne3A = arith.cmpi ne, %sign3A_31, %sign3A_38 : i32
    %rem3A = arith.remsi %add3A_25, %jit3A : i32
    %ne3A_39 = arith.constant 0 : i32
    %ne3A_40 = arith.cmpi ne, %rem3A, %ne3A_39 : i32
    %and3A = arith.andi %ne3A, %ne3A_40 : i1
    %sub3A = arith.constant 1 : i32
    %sub3A_41 = arith.subi %div3A, %sub3A : i32
    %select_n3A = arith.select %and3A, %sub3A_41, %div3A : i32
    %while3A = arith.constant 0 : i32
    %while3A_42 = arith.constant 1 : i32
    %while3A_43 = arith.subi %select_n3A, %while3A_42 : i32
    %while3A_44 = arith.addi %while3A_42, %while3A_43 : i32
    %while3A_45 = arith.constant 1 : i32
    %while3A_46 = arith.divsi %while3A_43, %while3A_45 : i32
    %while3A_47 = arith.muli %while3A_46, %while3A_45 : i32
    %while3A_48 = arith.addi %while3A_42, %while3A_47 : i32
    %while3A_49 = arith.constant 1 : i32
    scf.for %while3A_62 = %while3A_42 to %while3A_48 step %while3A_49  : i32 {
      %mul3A_63 = arith.constant 256 : i32
      %mul3A_64 = arith.muli %while3A_62, %mul3A_63 : i32
      %mul3A_65 = arith.constant 256 : i32
      %mul3A_66 = arith.muli %while3A_62, %mul3A_65 : i32
      %dma_start3A_67 = arith.constant 0 : i32
      %dma_start3A_68 = arith.constant 0 : i32
      %dma_start3A_69 = arith.constant 0 : i32
      %dma_start3A_70 = arith.constant 0 : i32
      %dma_start3A_71 = tpu.memref_slice %arg5[%dma_start3A_68, %dma_start3A_70, %mul3A_66] : memref<2x16x2048xf32, #tpu.memory_space<vmem>> -> memref<1x16x256xf32, #tpu.memory_space<vmem>>
      %dma_start3A_72 = tpu.memref_squeeze %dma_start3A_71 : memref<1x16x256xf32, #tpu.memory_space<vmem>> -> memref<16x256xf32, #tpu.memory_space<vmem>>
      %dma_start3A_73 = tpu.memref_slice %arg2[%dma_start3A_67, %mul3A_2, %mul3A_64] : memref<8x512x2048xf32, #tpu.memory_space<hbm>> -> memref<1x16x256xf32, #tpu.memory_space<hbm>>
      %dma_start3A_74 = tpu.memref_squeeze %dma_start3A_73 : memref<1x16x256xf32, #tpu.memory_space<hbm>> -> memref<16x256xf32, #tpu.memory_space<hbm>>
      %dma_start3A_75 = tpu.memref_slice %arg8[%dma_start3A_69] : memref<2x!tpu.dma_semaphore, #tpu.memory_space<semaphore_mem>> -> memref<1x!tpu.dma_semaphore, #tpu.memory_space<semaphore_mem>>
      %dma_start3A_76 = tpu.memref_squeeze %dma_start3A_75 : memref<1x!tpu.dma_semaphore, #tpu.memory_space<semaphore_mem>> -> memref<!tpu.dma_semaphore, #tpu.memory_space<semaphore_mem>>
      %dma_start3A_77 = arith.constant 0 : i32
      %dma_start3A_78 = tpu.memref_slice %arg5[%dma_start3A_68, %dma_start3A_77, %mul3A_66] : memref<2x16x2048xf32, #tpu.memory_space<vmem>> -> memref<1x16x256xf32, #tpu.memory_space<vmem>>
      %dma_start3A_79 = tpu.memref_squeeze %dma_start3A_78 : memref<1x16x256xf32, #tpu.memory_space<vmem>> -> memref<16x256xf32, #tpu.memory_space<vmem>>
      %dma_start3A_80 = tpu.memref_slice %arg2[%dma_start3A_67, %mul3A_2, %mul3A_64] : memref<8x512x2048xf32, #tpu.memory_space<hbm>> -> memref<1x16x256xf32, #tpu.memory_space<hbm>>
      %dma_start3A_81 = tpu.memref_squeeze %dma_start3A_80 : memref<1x16x256xf32, #tpu.memory_space<hbm>> -> memref<16x256xf32, #tpu.memory_space<hbm>>
      tpu.enqueue_dma source(%dma_start3A_81 : memref<16x256xf32, #tpu.memory_space<hbm>>) target(%dma_start3A_79 : memref<16x256xf32, #tpu.memory_space<vmem>>) target_semaphore(%dma_start3A_76 : memref<!tpu.dma_semaphore, #tpu.memory_space<semaphore_mem>>)
    }
    %while3A_50 = arith.constant 1 : i32
    scf.for %while3A_62 = %while3A_48 to %while3A_44 step %while3A_50  : i32 {
      %mul3A_63 = arith.constant 256 : i32
      %mul3A_64 = arith.muli %while3A_62, %mul3A_63 : i32
      %mul3A_65 = arith.constant 256 : i32
      %mul3A_66 = arith.muli %while3A_62, %mul3A_65 : i32
      %dma_start3A_67 = arith.constant 0 : i32
      %dma_start3A_68 = arith.constant 0 : i32
      %dma_start3A_69 = arith.constant 0 : i32
      %dma_start3A_70 = arith.constant 0 : i32
      %dma_start3A_71 = tpu.memref_slice %arg5[%dma_start3A_68, %dma_start3A_70, %mul3A_66] : memref<2x16x2048xf32, #tpu.memory_space<vmem>> -> memref<1x16x256xf32, #tpu.memory_space<vmem>>
      %dma_start3A_72 = tpu.memref_squeeze %dma_start3A_71 : memref<1x16x256xf32, #tpu.memory_space<vmem>> -> memref<16x256xf32, #tpu.memory_space<vmem>>
      %dma_start3A_73 = tpu.memref_slice %arg2[%dma_start3A_67, %mul3A_2, %mul3A_64] : memref<8x512x2048xf32, #tpu.memory_space<hbm>> -> memref<1x16x256xf32, #tpu.memory_space<hbm>>
      %dma_start3A_74 = tpu.memref_squeeze %dma_start3A_73 : memref<1x16x256xf32, #tpu.memory_space<hbm>> -> memref<16x256xf32, #tpu.memory_space<hbm>>
      %dma_start3A_75 = tpu.memref_slice %arg8[%dma_start3A_69] : memref<2x!tpu.dma_semaphore, #tpu.memory_space<semaphore_mem>> -> memref<1x!tpu.dma_semaphore, #tpu.memory_space<semaphore_mem>>
      %dma_start3A_76 = tpu.memref_squeeze %dma_start3A_75 : memref<1x!tpu.dma_semaphore, #tpu.memory_space<semaphore_mem>> -> memref<!tpu.dma_semaphore, #tpu.memory_space<semaphore_mem>>
      %dma_start3A_77 = arith.constant 0 : i32
      %dma_start3A_78 = tpu.memref_slice %arg5[%dma_start3A_68, %dma_start3A_77, %mul3A_66] : memref<2x16x2048xf32, #tpu.memory_space<vmem>> -> memref<1x16x256xf32, #tpu.memory_space<vmem>>
      %dma_start3A_79 = tpu.memref_squeeze %dma_start3A_78 : memref<1x16x256xf32, #tpu.memory_space<vmem>> -> memref<16x256xf32, #tpu.memory_space<vmem>>
      %dma_start3A_80 = tpu.memref_slice %arg2[%dma_start3A_67, %mul3A_2, %mul3A_64] : memref<8x512x2048xf32, #tpu.memory_space<hbm>> -> memref<1x16x256xf32, #tpu.memory_space<hbm>>
      %dma_start3A_81 = tpu.memref_squeeze %dma_start3A_80 : memref<1x16x256xf32, #tpu.memory_space<hbm>> -> memref<16x256xf32, #tpu.memory_space<hbm>>
      tpu.enqueue_dma source(%dma_start3A_81 : memref<16x256xf32, #tpu.memory_space<hbm>>) target(%dma_start3A_79 : memref<16x256xf32, #tpu.memory_space<vmem>>) target_semaphore(%dma_start3A_76 : memref<!tpu.dma_semaphore, #tpu.memory_space<semaphore_mem>>)
    }
    %scan3A = arith.constant 0 : i32
    %scan3A_51 = arith.constant 8 : i32
    %scan3A_52 = arith.addi %scan3A, %scan3A_51 : i32
    %scan3A_53 = arith.constant 1 : i32
    %scan3A_54:2 = scf.for %scan3A_62 = %scan3A to %scan3A_52 step %scan3A_53 iter_args(%scan3A_63 = %squeeze3A, %scan3A_64 = %select_n3A) -> (i32, i32)  : i32 {
      %add3A_65 = arith.constant 1 : i32
      %add3A_66 = arith.addi %scan3A_62, %add3A_65 : i32
      %lt3A = arith.constant 8 : i32
      %lt3A_67 = arith.cmpi slt, %add3A_66, %lt3A : i32
      %convert_element_type3A = arith.extui %lt3A_67 : i1 to i32
      %cond3A = arith.constant 0 : i32
      %cond3A_68 = arith.cmpi ne, %convert_element_type3A, %cond3A : i32
      %cond3A_69:2 = scf.if %cond3A_68 -> (i32, i32) {
        %add3A_233 = arith.constant 1 : i32
        %add3A_234 = arith.addi %scan3A_62, %add3A_233 : i32
        %get3A_235 = arith.index_cast %add3A_234 : i32 to index
        %get3A_236 = tpu.vector_load %arg7[%get3A_235] {strides = array<i32>} : memref<32xi32, #tpu.memory_space<vmem>>, vector<16xi32>,
        %get3A_237 = vector.shape_cast %get3A_236 : vector<16xi32> to vector<16xi32>
        %slice3A_238 = vector.extract_strided_slice %get3A_237 {offsets = [0], sizes = [1], strides = [1]} : vector<16xi32> to vector<1xi32>
        %squeeze3A_239 = vector.extract %slice3A_238[0] : i32 from vector<1xi32>
        %add3A_240 = arith.constant 255 : i32
        %add3A_241 = arith.addi %squeeze3A_239, %add3A_240 : i32
        %jit3A_242 = arith.constant 256 : i32
        %div3A_243 = arith.divsi %add3A_241, %jit3A_242 : i32
        %sign3A_244 = arith.constant 0 : i32
        %sign3A_245 = arith.cmpi sgt, %add3A_241, %sign3A_244 : i32
        %sign3A_246 = arith.extui %sign3A_245 : i1 to i32
        %sign3A_247 = arith.constant 0 : i32
        %sign3A_248 = arith.cmpi slt, %add3A_241, %sign3A_247 : i32
        %sign3A_249 = arith.extui %sign3A_248 : i1 to i32
        %sign3A_250 = arith.subi %sign3A_246, %sign3A_249 : i32
        %sign3A_251 = arith.constant 0 : i32
        %sign3A_252 = arith.cmpi sgt, %jit3A_242, %sign3A_251 : i32
        %sign3A_253 = arith.extui %sign3A_252 : i1 to i32
        %sign3A_254 = arith.constant 0 : i32
        %sign3A_255 = arith.cmpi slt, %jit3A_242, %sign3A_254 : i32
        %sign3A_256 = arith.extui %sign3A_255 : i1 to i32
        %sign3A_257 = arith.subi %sign3A_253, %sign3A_256 : i32
        %ne3A_258 = arith.cmpi ne, %sign3A_250, %sign3A_257 : i32
        %rem3A_259 = arith.remsi %add3A_241, %jit3A_242 : i32
        %ne3A_260 = arith.constant 0 : i32
        %ne3A_261 = arith.cmpi ne, %rem3A_259, %ne3A_260 : i32
        %and3A_262 = arith.andi %ne3A_258, %ne3A_261 : i1
        %sub3A_263 = arith.constant 1 : i32
        %sub3A_264 = arith.subi %div3A_243, %sub3A_263 : i32
        %select_n3A_265 = arith.select %and3A_262, %sub3A_264, %div3A_243 : i32
        scf.yield %squeeze3A_239, %select_n3A_265 : i32, i32
      } else {
        %cond3A_233 = arith.constant 0 : i32
        scf.yield %scan3A_63, %cond3A_233 : i32, i32
      }
      %add3A_70 = arith.constant 1 : i32
      %add3A_71 = arith.addi %scan3A_62, %add3A_70 : i32
      %jit3A_72 = arith.constant 2 : i32
      %eq3A = arith.constant 0 : i32
      %eq3A_73 = arith.cmpi eq, %jit3A_72, %eq3A : i32
      %jit3A_74 = arith.constant 1 : i32
      %select_n3A_75 = arith.select %eq3A_73, %jit3A_74, %jit3A_72 : i32
      %rem3A_76 = arith.remsi %add3A_71, %select_n3A_75 : i32
      %ne3A_77 = arith.constant 0 : i32
      %ne3A_78 = arith.cmpi ne, %rem3A_76, %ne3A_77 : i32
      %lt3A_79 = arith.constant 0 : i32
      %lt3A_80 = arith.cmpi slt, %rem3A_76, %lt3A_79 : i32
      %lt3A_81 = arith.constant 0 : i32
      %lt3A_82 = arith.cmpi slt, %select_n3A_75, %lt3A_81 : i32
      %ne3A_83 = arith.xori %lt3A_80, %lt3A_82 : i1
      %and3A_84 = arith.andi %ne3A_83, %ne3A_78 : i1
      %add3A_85 = arith.addi %rem3A_76, %select_n3A_75 : i32
      %select_n3A_86 = arith.select %and3A_84, %add3A_85, %rem3A_76 : i32
      %while3A_87 = arith.constant 0 : i32
      %while3A_88 = arith.constant 0 : i32
      %while3A_89 = arith.subi %cond3A_69#1, %while3A_88 : i32
      %while3A_90 = arith.addi %while3A_88, %while3A_89 : i32
      %while3A_91 = arith.constant 1 : i32
      %while3A_92 = arith.divsi %while3A_89, %while3A_91 : i32
      %while3A_93 = arith.muli %while3A_92, %while3A_91 : i32
      %while3A_94 = arith.addi %while3A_88, %while3A_93 : i32
      %while3A_95 = arith.constant 1 : i32
      scf.for %while3A_233 = %while3A_88 to %while3A_94 step %while3A_95  : i32 {
        %mul3A_234 = arith.constant 256 : i32
        %mul3A_235 = arith.muli %while3A_233, %mul3A_234 : i32
        %mul3A_236 = arith.constant 256 : i32
        %mul3A_237 = arith.muli %while3A_233, %mul3A_236 : i32
        %dma_start3A_238 = arith.constant 0 : i32
        %dma_start3A_239 = tpu.memref_slice %arg5[%select_n3A_86, %dma_start3A_238, %mul3A_237] : memref<2x16x2048xf32, #tpu.memory_space<vmem>> -> memref<1x16x256xf32, #tpu.memory_space<vmem>>
        %dma_start3A_240 = tpu.memref_squeeze %dma_start3A_239 : memref<1x16x256xf32, #tpu.memory_space<vmem>> -> memref<16x256xf32, #tpu.memory_space<vmem>>
        %dma_start3A_241 = tpu.memref_slice %arg2[%add3A_71, %mul3A_2, %mul3A_235] : memref<8x512x2048xf32, #tpu.memory_space<hbm>> -> memref<1x16x256xf32, #tpu.memory_space<hbm>>
        %dma_start3A_242 = tpu.memref_squeeze %dma_start3A_241 : memref<1x16x256xf32, #tpu.memory_space<hbm>> -> memref<16x256xf32, #tpu.memory_space<hbm>>
        %dma_start3A_243 = tpu.memref_slice %arg8[%select_n3A_86] : memref<2x!tpu.dma_semaphore, #tpu.memory_space<semaphore_mem>> -> memref<1x!tpu.dma_semaphore, #tpu.memory_space<semaphore_mem>>
        %dma_start3A_244 = tpu.memref_squeeze %dma_start3A_243 : memref<1x!tpu.dma_semaphore, #tpu.memory_space<semaphore_mem>> -> memref<!tpu.dma_semaphore, #tpu.memory_space<semaphore_mem>>
        %dma_start3A_245 = arith.constant 0 : i32
        %dma_start3A_246 = tpu.memref_slice %arg5[%select_n3A_86, %dma_start3A_245, %mul3A_237] : memref<2x16x2048xf32, #tpu.memory_space<vmem>> -> memref<1x16x256xf32, #tpu.memory_space<vmem>>
        %dma_start3A_247 = tpu.memref_squeeze %dma_start3A_246 : memref<1x16x256xf32, #tpu.memory_space<vmem>> -> memref<16x256xf32, #tpu.memory_space<vmem>>
        %dma_start3A_248 = tpu.memref_slice %arg2[%add3A_71, %mul3A_2, %mul3A_235] : memref<8x512x2048xf32, #tpu.memory_space<hbm>> -> memref<1x16x256xf32, #tpu.memory_space<hbm>>
        %dma_start3A_249 = tpu.memref_squeeze %dma_start3A_248 : memref<1x16x256xf32, #tpu.memory_space<hbm>> -> memref<16x256xf32, #tpu.memory_space<hbm>>
        tpu.enqueue_dma source(%dma_start3A_249 : memref<16x256xf32, #tpu.memory_space<hbm>>) target(%dma_start3A_247 : memref<16x256xf32, #tpu.memory_space<vmem>>) target_semaphore(%dma_start3A_244 : memref<!tpu.dma_semaphore, #tpu.memory_space<semaphore_mem>>)
      }
      %while3A_96 = arith.constant 1 : i32
      scf.for %while3A_233 = %while3A_94 to %while3A_90 step %while3A_96  : i32 {
        %mul3A_234 = arith.constant 256 : i32
        %mul3A_235 = arith.muli %while3A_233, %mul3A_234 : i32
        %mul3A_236 = arith.constant 256 : i32
        %mul3A_237 = arith.muli %while3A_233, %mul3A_236 : i32
        %dma_start3A_238 = arith.constant 0 : i32
        %dma_start3A_239 = tpu.memref_slice %arg5[%select_n3A_86, %dma_start3A_238, %mul3A_237] : memref<2x16x2048xf32, #tpu.memory_space<vmem>> -> memref<1x16x256xf32, #tpu.memory_space<vmem>>
        %dma_start3A_240 = tpu.memref_squeeze %dma_start3A_239 : memref<1x16x256xf32, #tpu.memory_space<vmem>> -> memref<16x256xf32, #tpu.memory_space<vmem>>
        %dma_start3A_241 = tpu.memref_slice %arg2[%add3A_71, %mul3A_2, %mul3A_235] : memref<8x512x2048xf32, #tpu.memory_space<hbm>> -> memref<1x16x256xf32, #tpu.memory_space<hbm>>
        %dma_start3A_242 = tpu.memref_squeeze %dma_start3A_241 : memref<1x16x256xf32, #tpu.memory_space<hbm>> -> memref<16x256xf32, #tpu.memory_space<hbm>>
        %dma_start3A_243 = tpu.memref_slice %arg8[%select_n3A_86] : memref<2x!tpu.dma_semaphore, #tpu.memory_space<semaphore_mem>> -> memref<1x!tpu.dma_semaphore, #tpu.memory_space<semaphore_mem>>
        %dma_start3A_244 = tpu.memref_squeeze %dma_start3A_243 : memref<1x!tpu.dma_semaphore, #tpu.memory_space<semaphore_mem>> -> memref<!tpu.dma_semaphore, #tpu.memory_space<semaphore_mem>>
        %dma_start3A_245 = arith.constant 0 : i32
        %dma_start3A_246 = tpu.memref_slice %arg5[%select_n3A_86, %dma_start3A_245, %mul3A_237] : memref<2x16x2048xf32, #tpu.memory_space<vmem>> -> memref<1x16x256xf32, #tpu.memory_space<vmem>>
        %dma_start3A_247 = tpu.memref_squeeze %dma_start3A_246 : memref<1x16x256xf32, #tpu.memory_space<vmem>> -> memref<16x256xf32, #tpu.memory_space<vmem>>
        %dma_start3A_248 = tpu.memref_slice %arg2[%add3A_71, %mul3A_2, %mul3A_235] : memref<8x512x2048xf32, #tpu.memory_space<hbm>> -> memref<1x16x256xf32, #tpu.memory_space<hbm>>
        %dma_start3A_249 = tpu.memref_squeeze %dma_start3A_248 : memref<1x16x256xf32, #tpu.memory_space<hbm>> -> memref<16x256xf32, #tpu.memory_space<hbm>>
        tpu.enqueue_dma source(%dma_start3A_249 : memref<16x256xf32, #tpu.memory_space<hbm>>) target(%dma_start3A_247 : memref<16x256xf32, #tpu.memory_space<vmem>>) target_semaphore(%dma_start3A_244 : memref<!tpu.dma_semaphore, #tpu.memory_space<semaphore_mem>>)
      }
      %jit3A_97 = arith.constant 2 : i32
      %eq3A_98 = arith.constant 0 : i32
      %eq3A_99 = arith.cmpi eq, %jit3A_97, %eq3A_98 : i32
      %jit3A_100 = arith.constant 1 : i32
      %select_n3A_101 = arith.select %eq3A_99, %jit3A_100, %jit3A_97 : i32
      %rem3A_102 = arith.remsi %scan3A_62, %select_n3A_101 : i32
      %ne3A_103 = arith.constant 0 : i32
      %ne3A_104 = arith.cmpi ne, %rem3A_102, %ne3A_103 : i32
      %lt3A_105 = arith.constant 0 : i32
      %lt3A_106 = arith.cmpi slt, %rem3A_102, %lt3A_105 : i32
      %lt3A_107 = arith.constant 0 : i32
      %lt3A_108 = arith.cmpi slt, %select_n3A_101, %lt3A_107 : i32
      %ne3A_109 = arith.xori %lt3A_106, %lt3A_108 : i1
      %and3A_110 = arith.andi %ne3A_109, %ne3A_104 : i1
      %add3A_111 = arith.addi %rem3A_102, %select_n3A_101 : i32
      %select_n3A_112 = arith.select %and3A_110, %add3A_111, %rem3A_102 : i32
      %while3A_113 = arith.constant 0 : i32
      %while3A_114 = arith.constant 0 : i32
      %while3A_115 = arith.subi %scan3A_64, %while3A_114 : i32
      %while3A_116 = arith.addi %while3A_114, %while3A_115 : i32
      %while3A_117 = arith.constant 1 : i32
      %while3A_118 = arith.divsi %while3A_115, %while3A_117 : i32
      %while3A_119 = arith.muli %while3A_118, %while3A_117 : i32
      %while3A_120 = arith.addi %while3A_114, %while3A_119 : i32
      %while3A_121 = arith.constant 1 : i32
      scf.for %while3A_233 = %while3A_114 to %while3A_120 step %while3A_121  : i32 {
        %mul3A_234 = arith.constant 256 : i32
        %mul3A_235 = arith.muli %while3A_233, %mul3A_234 : i32
        %mul3A_236 = arith.constant 256 : i32
        %mul3A_237 = arith.muli %while3A_233, %mul3A_236 : i32
        %dma_wait3A = arith.constant 0 : i32
        %dma_wait3A_238 = tpu.memref_slice %arg5[%select_n3A_112, %dma_wait3A, %mul3A_237] : memref<2x16x2048xf32, #tpu.memory_space<vmem>> -> memref<1x16x256xf32, #tpu.memory_space<vmem>>
        %dma_wait3A_239 = tpu.memref_squeeze %dma_wait3A_238 : memref<1x16x256xf32, #tpu.memory_space<vmem>> -> memref<16x256xf32, #tpu.memory_space<vmem>>
        %dma_wait3A_240 = tpu.memref_slice %arg2[%scan3A_62, %mul3A_2, %mul3A_235] : memref<8x512x2048xf32, #tpu.memory_space<hbm>> -> memref<1x16x256xf32, #tpu.memory_space<hbm>>
        %dma_wait3A_241 = tpu.memref_squeeze %dma_wait3A_240 : memref<1x16x256xf32, #tpu.memory_space<hbm>> -> memref<16x256xf32, #tpu.memory_space<hbm>>
        %dma_wait3A_242 = tpu.memref_slice %arg8[%select_n3A_112] : memref<2x!tpu.dma_semaphore, #tpu.memory_space<semaphore_mem>> -> memref<1x!tpu.dma_semaphore, #tpu.memory_space<semaphore_mem>>
        %dma_wait3A_243 = tpu.memref_squeeze %dma_wait3A_242 : memref<1x!tpu.dma_semaphore, #tpu.memory_space<semaphore_mem>> -> memref<!tpu.dma_semaphore, #tpu.memory_space<semaphore_mem>>
        %dma_wait3A_244 = arith.constant 0 : i32
        %dma_wait3A_245 = tpu.memref_slice %arg5[%select_n3A_112, %dma_wait3A_244, %mul3A_237] : memref<2x16x2048xf32, #tpu.memory_space<vmem>> -> memref<1x16x256xf32, #tpu.memory_space<vmem>>
        %dma_wait3A_246 = tpu.memref_squeeze %dma_wait3A_245 : memref<1x16x256xf32, #tpu.memory_space<vmem>> -> memref<16x256xf32, #tpu.memory_space<vmem>>
        %dma_wait3A_247 = tpu.memref_slice %arg2[%scan3A_62, %mul3A_2, %mul3A_235] : memref<8x512x2048xf32, #tpu.memory_space<hbm>> -> memref<1x16x256xf32, #tpu.memory_space<hbm>>
        %dma_wait3A_248 = tpu.memref_squeeze %dma_wait3A_247 : memref<1x16x256xf32, #tpu.memory_space<hbm>> -> memref<16x256xf32, #tpu.memory_space<hbm>>
        tpu.wait_dma2 semaphore(%dma_wait3A_243 : memref<!tpu.dma_semaphore, #tpu.memory_space<semaphore_mem>>) src(%dma_wait3A_248 : memref<16x256xf32, #tpu.memory_space<hbm>>) dst(%dma_wait3A_246 : memref<16x256xf32, #tpu.memory_space<vmem>>)
      }
      %while3A_122 = arith.constant 1 : i32
      scf.for %while3A_233 = %while3A_120 to %while3A_116 step %while3A_122  : i32 {
        %mul3A_234 = arith.constant 256 : i32
        %mul3A_235 = arith.muli %while3A_233, %mul3A_234 : i32
        %mul3A_236 = arith.constant 256 : i32
        %mul3A_237 = arith.muli %while3A_233, %mul3A_236 : i32
        %dma_wait3A = arith.constant 0 : i32
        %dma_wait3A_238 = tpu.memref_slice %arg5[%select_n3A_112, %dma_wait3A, %mul3A_237] : memref<2x16x2048xf32, #tpu.memory_space<vmem>> -> memref<1x16x256xf32, #tpu.memory_space<vmem>>
        %dma_wait3A_239 = tpu.memref_squeeze %dma_wait3A_238 : memref<1x16x256xf32, #tpu.memory_space<vmem>> -> memref<16x256xf32, #tpu.memory_space<vmem>>
        %dma_wait3A_240 = tpu.memref_slice %arg2[%scan3A_62, %mul3A_2, %mul3A_235] : memref<8x512x2048xf32, #tpu.memory_space<hbm>> -> memref<1x16x256xf32, #tpu.memory_space<hbm>>
        %dma_wait3A_241 = tpu.memref_squeeze %dma_wait3A_240 : memref<1x16x256xf32, #tpu.memory_space<hbm>> -> memref<16x256xf32, #tpu.memory_space<hbm>>
        %dma_wait3A_242 = tpu.memref_slice %arg8[%select_n3A_112] : memref<2x!tpu.dma_semaphore, #tpu.memory_space<semaphore_mem>> -> memref<1x!tpu.dma_semaphore, #tpu.memory_space<semaphore_mem>>
        %dma_wait3A_243 = tpu.memref_squeeze %dma_wait3A_242 : memref<1x!tpu.dma_semaphore, #tpu.memory_space<semaphore_mem>> -> memref<!tpu.dma_semaphore, #tpu.memory_space<semaphore_mem>>
        %dma_wait3A_244 = arith.constant 0 : i32
        %dma_wait3A_245 = tpu.memref_slice %arg5[%select_n3A_112, %dma_wait3A_244, %mul3A_237] : memref<2x16x2048xf32, #tpu.memory_space<vmem>> -> memref<1x16x256xf32, #tpu.memory_space<vmem>>
        %dma_wait3A_246 = tpu.memref_squeeze %dma_wait3A_245 : memref<1x16x256xf32, #tpu.memory_space<vmem>> -> memref<16x256xf32, #tpu.memory_space<vmem>>
        %dma_wait3A_247 = tpu.memref_slice %arg2[%scan3A_62, %mul3A_2, %mul3A_235] : memref<8x512x2048xf32, #tpu.memory_space<hbm>> -> memref<1x16x256xf32, #tpu.memory_space<hbm>>
        %dma_wait3A_248 = tpu.memref_squeeze %dma_wait3A_247 : memref<1x16x256xf32, #tpu.memory_space<hbm>> -> memref<16x256xf32, #tpu.memory_space<hbm>>
        tpu.wait_dma2 semaphore(%dma_wait3A_243 : memref<!tpu.dma_semaphore, #tpu.memory_space<semaphore_mem>>) src(%dma_wait3A_248 : memref<16x256xf32, #tpu.memory_space<hbm>>) dst(%dma_wait3A_246 : memref<16x256xf32, #tpu.memory_space<vmem>>)
      }
      %jit3A_123 = arith.constant 2 : i32
      %eq3A_124 = arith.constant 0 : i32
      %eq3A_125 = arith.cmpi eq, %jit3A_123, %eq3A_124 : i32
      %jit3A_126 = arith.constant 1 : i32
      %select_n3A_127 = arith.select %eq3A_125, %jit3A_126, %jit3A_123 : i32
      %rem3A_128 = arith.remsi %scan3A_62, %select_n3A_127 : i32
      %ne3A_129 = arith.constant 0 : i32
      %ne3A_130 = arith.cmpi ne, %rem3A_128, %ne3A_129 : i32
      %lt3A_131 = arith.constant 0 : i32
      %lt3A_132 = arith.cmpi slt, %rem3A_128, %lt3A_131 : i32
      %lt3A_133 = arith.constant 0 : i32
      %lt3A_134 = arith.cmpi slt, %select_n3A_127, %lt3A_133 : i32
      %ne3A_135 = arith.xori %lt3A_132, %lt3A_134 : i1
      %and3A_136 = arith.andi %ne3A_135, %ne3A_130 : i1
      %add3A_137 = arith.addi %rem3A_128, %select_n3A_127 : i32
      %select_n3A_138 = arith.select %and3A_136, %add3A_137, %rem3A_128 : i32
      %jit3A_139 = arith.constant 128 : i32
      %div3A_140 = arith.divsi %scan3A_63, %jit3A_139 : i32
      %sign3A_141 = arith.constant 0 : i32
      %sign3A_142 = arith.cmpi sgt, %scan3A_63, %sign3A_141 : i32
      %sign3A_143 = arith.extui %sign3A_142 : i1 to i32
      %sign3A_144 = arith.constant 0 : i32
      %sign3A_145 = arith.cmpi slt, %scan3A_63, %sign3A_144 : i32
      %sign3A_146 = arith.extui %sign3A_145 : i1 to i32
      %sign3A_147 = arith.subi %sign3A_143, %sign3A_146 : i32
      %sign3A_148 = arith.constant 0 : i32
      %sign3A_149 = arith.cmpi sgt, %jit3A_139, %sign3A_148 : i32
      %sign3A_150 = arith.extui %sign3A_149 : i1 to i32
      %sign3A_151 = arith.constant 0 : i32
      %sign3A_152 = arith.cmpi slt, %jit3A_139, %sign3A_151 : i32
      %sign3A_153 = arith.extui %sign3A_152 : i1 to i32
      %sign3A_154 = arith.subi %sign3A_150, %sign3A_153 : i32
      %ne3A_155 = arith.cmpi ne, %sign3A_147, %sign3A_154 : i32
      %rem3A_156 = arith.remsi %scan3A_63, %jit3A_139 : i32
      %ne3A_157 = arith.constant 0 : i32
      %ne3A_158 = arith.cmpi ne, %rem3A_156, %ne3A_157 : i32
      %and3A_159 = arith.andi %ne3A_155, %ne3A_158 : i1
      %sub3A_160 = arith.constant 1 : i32
      %sub3A_161 = arith.subi %div3A_140, %sub3A_160 : i32
      %select_n3A_162 = arith.select %and3A_159, %sub3A_161, %div3A_140 : i32
      %mul3A_163 = arith.constant 128 : i32
      %mul3A_164 = arith.muli %select_n3A_162, %mul3A_163 : i32
      %min3A = arith.constant 1920 : i32
      %min3A_165 = arith.minsi %mul3A_164, %min3A : i32
      %add3A_166 = arith.constant 0 : i32
      %add3A_167 = arith.addi %min3A_165, %add3A_166 : i32
      %add3A_168 = vector.broadcast %add3A_167 : i32 to vector<16xi32>
      %add3A_169 = arith.addi %add3A_168, %iota3A : vector<16xi32>
      %lt3A_170 = vector.broadcast %scan3A_63 : i32 to vector<16xi32>
      %lt3A_171 = arith.cmpi slt, %add3A_169, %lt3A_170 : vector<16xi32>
      %add3A_172 = arith.constant 16 : i32
      %add3A_173 = arith.addi %min3A_165, %add3A_172 : i32
      %add3A_174 = vector.broadcast %add3A_173 : i32 to vector<16xi32>
      %add3A_175 = arith.addi %add3A_174, %iota3A : vector<16xi32>
      %lt3A_176 = vector.broadcast %scan3A_63 : i32 to vector<16xi32>
      %lt3A_177 = arith.cmpi slt, %add3A_175, %lt3A_176 : vector<16xi32>
      %add3A_178 = arith.constant 32 : i32
      %add3A_179 = arith.addi %min3A_165, %add3A_178 : i32
      %add3A_180 = vector.broadcast %add3A_179 : i32 to vector<16xi32>
      %add3A_181 = arith.addi %add3A_180, %iota3A : vector<16xi32>
      %lt3A_182 = vector.broadcast %scan3A_63 : i32 to vector<16xi32>
      %lt3A_183 = arith.cmpi slt, %add3A_181, %lt3A_182 : vector<16xi32>
      %add3A_184 = arith.constant 48 : i32
      %add3A_185 = arith.addi %min3A_165, %add3A_184 : i32
      %add3A_186 = vector.broadcast %add3A_185 : i32 to vector<16xi32>
      %add3A_187 = arith.addi %add3A_186, %iota3A : vector<16xi32>
      %lt3A_188 = vector.broadcast %scan3A_63 : i32 to vector<16xi32>
      %lt3A_189 = arith.cmpi slt, %add3A_187, %lt3A_188 : vector<16xi32>
      %add3A_190 = arith.constant 64 : i32
      %add3A_191 = arith.addi %min3A_165, %add3A_190 : i32
      %add3A_192 = vector.broadcast %add3A_191 : i32 to vector<16xi32>
      %add3A_193 = arith.addi %add3A_192, %iota3A : vector<16xi32>
      %lt3A_194 = vector.broadcast %scan3A_63 : i32 to vector<16xi32>
      %lt3A_195 = arith.cmpi slt, %add3A_193, %lt3A_194 : vector<16xi32>
      %add3A_196 = arith.constant 80 : i32
      %add3A_197 = arith.addi %min3A_165, %add3A_196 : i32
      %add3A_198 = vector.broadcast %add3A_197 : i32 to vector<16xi32>
      %add3A_199 = arith.addi %add3A_198, %iota3A : vector<16xi32>
      %lt3A_200 = vector.broadcast %scan3A_63 : i32 to vector<16xi32>
      %lt3A_201 = arith.cmpi slt, %add3A_199, %lt3A_200 : vector<16xi32>
      %add3A_202 = arith.constant 96 : i32
      %add3A_203 = arith.addi %min3A_165, %add3A_202 : i32
      %add3A_204 = vector.broadcast %add3A_203 : i32 to vector<16xi32>
      %add3A_205 = arith.addi %add3A_204, %iota3A : vector<16xi32>
      %lt3A_206 = vector.broadcast %scan3A_63 : i32 to vector<16xi32>
      %lt3A_207 = arith.cmpi slt, %add3A_205, %lt3A_206 : vector<16xi32>
      %add3A_208 = arith.constant 112 : i32
      %add3A_209 = arith.addi %min3A_165, %add3A_208 : i32
      %add3A_210 = vector.broadcast %add3A_209 : i32 to vector<16xi32>
      %add3A_211 = arith.addi %add3A_210, %iota3A : vector<16xi32>
      %lt3A_212 = vector.broadcast %scan3A_63 : i32 to vector<16xi32>
      %lt3A_213 = arith.cmpi slt, %add3A_211, %lt3A_212 : vector<16xi32>
      %scan3A_214 = arith.constant 0 : i32
      %scan3A_215 = arith.constant 4 : i32
      %scan3A_216 = arith.addi %scan3A_214, %scan3A_215 : i32
      %scan3A_217 = arith.constant 1 : i32
      %scan3A_218 = scf.for %scan3A_233 = %scan3A_214 to %scan3A_216 step %scan3A_217 iter_args(%scan3A_234 = %broadcast_in_dim3A_21) -> (vector<16xf32>)  : i32 {
        %mul3A_235 = arith.constant 4 : i32
        %mul3A_236 = arith.muli %mul3A_235, %scan3A_233 : i32
        %add3A_237 = arith.constant 0 : i32
        %add3A_238 = arith.addi %mul3A_236, %add3A_237 : i32
        %mul3A_239 = arith.constant 4 : i32
        %mul3A_240 = arith.muli %mul3A_239, %scan3A_233 : i32
        %add3A_241 = arith.constant 1 : i32
        %add3A_242 = arith.addi %mul3A_240, %add3A_241 : i32
        %mul3A_243 = arith.constant 4 : i32
        %mul3A_244 = arith.muli %mul3A_243, %scan3A_233 : i32
        %add3A_245 = arith.constant 2 : i32
        %add3A_246 = arith.addi %mul3A_244, %add3A_245 : i32
        %mul3A_247 = arith.constant 4 : i32
        %mul3A_248 = arith.muli %mul3A_247, %scan3A_233 : i32
        %add3A_249 = arith.constant 3 : i32
        %add3A_250 = arith.addi %mul3A_248, %add3A_249 : i32
        %while3A_251 = arith.constant 0 : i32
        %while3A_252 = arith.subi %select_n3A_162, %while3A_251 : i32
        %while3A_253 = arith.addi %while3A_251, %while3A_252 : i32
        %while3A_254 = arith.constant 1 : i32
        %while3A_255 = arith.divsi %while3A_252, %while3A_254 : i32
        %while3A_256 = arith.muli %while3A_255, %while3A_254 : i32
        %while3A_257 = arith.addi %while3A_251, %while3A_256 : i32
        %while3A_258 = arith.constant 1 : i32
        %while3A_259:8 = scf.for %while3A_786 = %while3A_251 to %while3A_257 step %while3A_258 iter_args(%while3A_787 = %broadcast_in_dim3A_21, %while3A_788 = %broadcast_in_dim3A_21, %while3A_789 = %broadcast_in_dim3A_21, %while3A_790 = %broadcast_in_dim3A_21, %while3A_791 = %broadcast_in_dim3A_21, %while3A_792 = %broadcast_in_dim3A_21, %while3A_793 = %broadcast_in_dim3A_21, %while3A_794 = %broadcast_in_dim3A_21) -> (vector<16xf32>, vector<16xf32>, vector<16xf32>, vector<16xf32>, vector<16xf32>, vector<16xf32>, vector<16xf32>, vector<16xf32>)  : i32 {
          %mul3A_795 = arith.constant 128 : i32
          %mul3A_796 = arith.muli %while3A_786, %mul3A_795 : i32
          %add3A_797 = arith.constant 0 : i32
          %add3A_798 = arith.addi %mul3A_796, %add3A_797 : i32
          %get3A_799 = arith.index_cast %select_n3A_138 : i32 to index
          %get3A_800 = arith.index_cast %add3A_238 : i32 to index
          %get3A_801 = arith.index_cast %add3A_798 : i32 to index
          %get3A_802 = tpu.vector_load %arg5[%get3A_799, %get3A_800, %get3A_801] {strides = array<i32>} : memref<2x16x2048xf32, #tpu.memory_space<vmem>>, vector<1x1x16xf32>,
          %get3A_803 = vector.shape_cast %get3A_802 : vector<1x1x16xf32> to vector<16xf32>
          %max3A_804 = arith.maximumf %while3A_787, %get3A_803 : vector<16xf32>
          %add3A_805 = arith.constant 0 : i32
          %add3A_806 = arith.addi %mul3A_796, %add3A_805 : i32
          %get3A_807 = arith.index_cast %select_n3A_138 : i32 to index
          %get3A_808 = arith.index_cast %add3A_242 : i32 to index
          %get3A_809 = arith.index_cast %add3A_806 : i32 to index
          %get3A_810 = tpu.vector_load %arg5[%get3A_807, %get3A_808, %get3A_809] {strides = array<i32>} : memref<2x16x2048xf32, #tpu.memory_space<vmem>>, vector<1x1x16xf32>,
          %get3A_811 = vector.shape_cast %get3A_810 : vector<1x1x16xf32> to vector<16xf32>
          %max3A_812 = arith.maximumf %while3A_789, %get3A_811 : vector<16xf32>
          %add3A_813 = arith.constant 0 : i32
          %add3A_814 = arith.addi %mul3A_796, %add3A_813 : i32
          %get3A_815 = arith.index_cast %select_n3A_138 : i32 to index
          %get3A_816 = arith.index_cast %add3A_246 : i32 to index
          %get3A_817 = arith.index_cast %add3A_814 : i32 to index
          %get3A_818 = tpu.vector_load %arg5[%get3A_815, %get3A_816, %get3A_817] {strides = array<i32>} : memref<2x16x2048xf32, #tpu.memory_space<vmem>>, vector<1x1x16xf32>,
          %get3A_819 = vector.shape_cast %get3A_818 : vector<1x1x16xf32> to vector<16xf32>
          %max3A_820 = arith.maximumf %while3A_791, %get3A_819 : vector<16xf32>
          %add3A_821 = arith.constant 0 : i32
          %add3A_822 = arith.addi %mul3A_796, %add3A_821 : i32
          %get3A_823 = arith.index_cast %select_n3A_138 : i32 to index
          %get3A_824 = arith.index_cast %add3A_250 : i32 to index
          %get3A_825 = arith.index_cast %add3A_822 : i32 to index
          %get3A_826 = tpu.vector_load %arg5[%get3A_823, %get3A_824, %get3A_825] {strides = array<i32>} : memref<2x16x2048xf32, #tpu.memory_space<vmem>>, vector<1x1x16xf32>,
          %get3A_827 = vector.shape_cast %get3A_826 : vector<1x1x16xf32> to vector<16xf32>
          %max3A_828 = arith.maximumf %while3A_793, %get3A_827 : vector<16xf32>
          %add3A_829 = arith.constant 16 : i32
          %add3A_830 = arith.addi %mul3A_796, %add3A_829 : i32
          %get3A_831 = arith.index_cast %select_n3A_138 : i32 to index
          %get3A_832 = arith.index_cast %add3A_238 : i32 to index
          %get3A_833 = arith.index_cast %add3A_830 : i32 to index
          %get3A_834 = tpu.vector_load %arg5[%get3A_831, %get3A_832, %get3A_833] {strides = array<i32>} : memref<2x16x2048xf32, #tpu.memory_space<vmem>>, vector<1x1x16xf32>,
          %get3A_835 = vector.shape_cast %get3A_834 : vector<1x1x16xf32> to vector<16xf32>
          %max3A_836 = arith.maximumf %while3A_788, %get3A_835 : vector<16xf32>
          %add3A_837 = arith.constant 16 : i32
          %add3A_838 = arith.addi %mul3A_796, %add3A_837 : i32
          %get3A_839 = arith.index_cast %select_n3A_138 : i32 to index
          %get3A_840 = arith.index_cast %add3A_242 : i32 to index
          %get3A_841 = arith.index_cast %add3A_838 : i32 to index
          %get3A_842 = tpu.vector_load %arg5[%get3A_839, %get3A_840, %get3A_841] {strides = array<i32>} : memref<2x16x2048xf32, #tpu.memory_space<vmem>>, vector<1x1x16xf32>,
          %get3A_843 = vector.shape_cast %get3A_842 : vector<1x1x16xf32> to vector<16xf32>
          %max3A_844 = arith.maximumf %while3A_790, %get3A_843 : vector<16xf32>
          %add3A_845 = arith.constant 16 : i32
          %add3A_846 = arith.addi %mul3A_796, %add3A_845 : i32
          %get3A_847 = arith.index_cast %select_n3A_138 : i32 to index
          %get3A_848 = arith.index_cast %add3A_246 : i32 to index
          %get3A_849 = arith.index_cast %add3A_846 : i32 to index
          %get3A_850 = tpu.vector_load %arg5[%get3A_847, %get3A_848, %get3A_849] {strides = array<i32>} : memref<2x16x2048xf32, #tpu.memory_space<vmem>>, vector<1x1x16xf32>,
          %get3A_851 = vector.shape_cast %get3A_850 : vector<1x1x16xf32> to vector<16xf32>
          %max3A_852 = arith.maximumf %while3A_792, %get3A_851 : vector<16xf32>
          %add3A_853 = arith.constant 16 : i32
          %add3A_854 = arith.addi %mul3A_796, %add3A_853 : i32
          %get3A_855 = arith.index_cast %select_n3A_138 : i32 to index
          %get3A_856 = arith.index_cast %add3A_250 : i32 to index
          %get3A_857 = arith.index_cast %add3A_854 : i32 to index
          %get3A_858 = tpu.vector_load %arg5[%get3A_855, %get3A_856, %get3A_857] {strides = array<i32>} : memref<2x16x2048xf32, #tpu.memory_space<vmem>>, vector<1x1x16xf32>,
          %get3A_859 = vector.shape_cast %get3A_858 : vector<1x1x16xf32> to vector<16xf32>
          %max3A_860 = arith.maximumf %while3A_794, %get3A_859 : vector<16xf32>
          %add3A_861 = arith.constant 32 : i32
          %add3A_862 = arith.addi %mul3A_796, %add3A_861 : i32
          %get3A_863 = arith.index_cast %select_n3A_138 : i32 to index
          %get3A_864 = arith.index_cast %add3A_238 : i32 to index
          %get3A_865 = arith.index_cast %add3A_862 : i32 to index
          %get3A_866 = tpu.vector_load %arg5[%get3A_863, %get3A_864, %get3A_865] {strides = array<i32>} : memref<2x16x2048xf32, #tpu.memory_space<vmem>>, vector<1x1x16xf32>,
          %get3A_867 = vector.shape_cast %get3A_866 : vector<1x1x16xf32> to vector<16xf32>
          %max3A_868 = arith.maximumf %max3A_804, %get3A_867 : vector<16xf32>
          %add3A_869 = arith.constant 32 : i32
          %add3A_870 = arith.addi %mul3A_796, %add3A_869 : i32
          %get3A_871 = arith.index_cast %select_n3A_138 : i32 to index
          %get3A_872 = arith.index_cast %add3A_242 : i32 to index
          %get3A_873 = arith.index_cast %add3A_870 : i32 to index
          %get3A_874 = tpu.vector_load %arg5[%get3A_871, %get3A_872, %get3A_873] {strides = array<i32>} : memref<2x16x2048xf32, #tpu.memory_space<vmem>>, vector<1x1x16xf32>,
          %get3A_875 = vector.shape_cast %get3A_874 : vector<1x1x16xf32> to vector<16xf32>
          %max3A_876 = arith.maximumf %max3A_812, %get3A_875 : vector<16xf32>
          %add3A_877 = arith.constant 32 : i32
          %add3A_878 = arith.addi %mul3A_796, %add3A_877 : i32
          %get3A_879 = arith.index_cast %select_n3A_138 : i32 to index
          %get3A_880 = arith.index_cast %add3A_246 : i32 to index
          %get3A_881 = arith.index_cast %add3A_878 : i32 to index
          %get3A_882 = tpu.vector_load %arg5[%get3A_879, %get3A_880, %get3A_881] {strides = array<i32>} : memref<2x16x2048xf32, #tpu.memory_space<vmem>>, vector<1x1x16xf32>,
          %get3A_883 = vector.shape_cast %get3A_882 : vector<1x1x16xf32> to vector<16xf32>
          %max3A_884 = arith.maximumf %max3A_820, %get3A_883 : vector<16xf32>
          %add3A_885 = arith.constant 32 : i32
          %add3A_886 = arith.addi %mul3A_796, %add3A_885 : i32
          %get3A_887 = arith.index_cast %select_n3A_138 : i32 to index
          %get3A_888 = arith.index_cast %add3A_250 : i32 to index
          %get3A_889 = arith.index_cast %add3A_886 : i32 to index
          %get3A_890 = tpu.vector_load %arg5[%get3A_887, %get3A_888, %get3A_889] {strides = array<i32>} : memref<2x16x2048xf32, #tpu.memory_space<vmem>>, vector<1x1x16xf32>,
          %get3A_891 = vector.shape_cast %get3A_890 : vector<1x1x16xf32> to vector<16xf32>
          %max3A_892 = arith.maximumf %max3A_828, %get3A_891 : vector<16xf32>
          %add3A_893 = arith.constant 48 : i32
          %add3A_894 = arith.addi %mul3A_796, %add3A_893 : i32
          %get3A_895 = arith.index_cast %select_n3A_138 : i32 to index
          %get3A_896 = arith.index_cast %add3A_238 : i32 to index
          %get3A_897 = arith.index_cast %add3A_894 : i32 to index
          %get3A_898 = tpu.vector_load %arg5[%get3A_895, %get3A_896, %get3A_897] {strides = array<i32>} : memref<2x16x2048xf32, #tpu.memory_space<vmem>>, vector<1x1x16xf32>,
          %get3A_899 = vector.shape_cast %get3A_898 : vector<1x1x16xf32> to vector<16xf32>
          %max3A_900 = arith.maximumf %max3A_836, %get3A_899 : vector<16xf32>
          %add3A_901 = arith.constant 48 : i32
          %add3A_902 = arith.addi %mul3A_796, %add3A_901 : i32
          %get3A_903 = arith.index_cast %select_n3A_138 : i32 to index
          %get3A_904 = arith.index_cast %add3A_242 : i32 to index
          %get3A_905 = arith.index_cast %add3A_902 : i32 to index
          %get3A_906 = tpu.vector_load %arg5[%get3A_903, %get3A_904, %get3A_905] {strides = array<i32>} : memref<2x16x2048xf32, #tpu.memory_space<vmem>>, vector<1x1x16xf32>,
          %get3A_907 = vector.shape_cast %get3A_906 : vector<1x1x16xf32> to vector<16xf32>
          %max3A_908 = arith.maximumf %max3A_844, %get3A_907 : vector<16xf32>
          %add3A_909 = arith.constant 48 : i32
          %add3A_910 = arith.addi %mul3A_796, %add3A_909 : i32
          %get3A_911 = arith.index_cast %select_n3A_138 : i32 to index
          %get3A_912 = arith.index_cast %add3A_246 : i32 to index
          %get3A_913 = arith.index_cast %add3A_910 : i32 to index
          %get3A_914 = tpu.vector_load %arg5[%get3A_911, %get3A_912, %get3A_913] {strides = array<i32>} : memref<2x16x2048xf32, #tpu.memory_space<vmem>>, vector<1x1x16xf32>,
          %get3A_915 = vector.shape_cast %get3A_914 : vector<1x1x16xf32> to vector<16xf32>
          %max3A_916 = arith.maximumf %max3A_852, %get3A_915 : vector<16xf32>
          %add3A_917 = arith.constant 48 : i32
          %add3A_918 = arith.addi %mul3A_796, %add3A_917 : i32
          %get3A_919 = arith.index_cast %select_n3A_138 : i32 to index
          %get3A_920 = arith.index_cast %add3A_250 : i32 to index
          %get3A_921 = arith.index_cast %add3A_918 : i32 to index
          %get3A_922 = tpu.vector_load %arg5[%get3A_919, %get3A_920, %get3A_921] {strides = array<i32>} : memref<2x16x2048xf32, #tpu.memory_space<vmem>>, vector<1x1x16xf32>,
          %get3A_923 = vector.shape_cast %get3A_922 : vector<1x1x16xf32> to vector<16xf32>
          %max3A_924 = arith.maximumf %max3A_860, %get3A_923 : vector<16xf32>
          %add3A_925 = arith.constant 64 : i32
          %add3A_926 = arith.addi %mul3A_796, %add3A_925 : i32
          %get3A_927 = arith.index_cast %select_n3A_138 : i32 to index
          %get3A_928 = arith.index_cast %add3A_238 : i32 to index
          %get3A_929 = arith.index_cast %add3A_926 : i32 to index
          %get3A_930 = tpu.vector_load %arg5[%get3A_927, %get3A_928, %get3A_929] {strides = array<i32>} : memref<2x16x2048xf32, #tpu.memory_space<vmem>>, vector<1x1x16xf32>,
          %get3A_931 = vector.shape_cast %get3A_930 : vector<1x1x16xf32> to vector<16xf32>
          %max3A_932 = arith.maximumf %max3A_868, %get3A_931 : vector<16xf32>
          %add3A_933 = arith.constant 64 : i32
          %add3A_934 = arith.addi %mul3A_796, %add3A_933 : i32
          %get3A_935 = arith.index_cast %select_n3A_138 : i32 to index
          %get3A_936 = arith.index_cast %add3A_242 : i32 to index
          %get3A_937 = arith.index_cast %add3A_934 : i32 to index
          %get3A_938 = tpu.vector_load %arg5[%get3A_935, %get3A_936, %get3A_937] {strides = array<i32>} : memref<2x16x2048xf32, #tpu.memory_space<vmem>>, vector<1x1x16xf32>,
          %get3A_939 = vector.shape_cast %get3A_938 : vector<1x1x16xf32> to vector<16xf32>
          %max3A_940 = arith.maximumf %max3A_876, %get3A_939 : vector<16xf32>
          %add3A_941 = arith.constant 64 : i32
          %add3A_942 = arith.addi %mul3A_796, %add3A_941 : i32
          %get3A_943 = arith.index_cast %select_n3A_138 : i32 to index
          %get3A_944 = arith.index_cast %add3A_246 : i32 to index
          %get3A_945 = arith.index_cast %add3A_942 : i32 to index
          %get3A_946 = tpu.vector_load %arg5[%get3A_943, %get3A_944, %get3A_945] {strides = array<i32>} : memref<2x16x2048xf32, #tpu.memory_space<vmem>>, vector<1x1x16xf32>,
          %get3A_947 = vector.shape_cast %get3A_946 : vector<1x1x16xf32> to vector<16xf32>
          %max3A_948 = arith.maximumf %max3A_884, %get3A_947 : vector<16xf32>
          %add3A_949 = arith.constant 64 : i32
          %add3A_950 = arith.addi %mul3A_796, %add3A_949 : i32
          %get3A_951 = arith.index_cast %select_n3A_138 : i32 to index
          %get3A_952 = arith.index_cast %add3A_250 : i32 to index
          %get3A_953 = arith.index_cast %add3A_950 : i32 to index
          %get3A_954 = tpu.vector_load %arg5[%get3A_951, %get3A_952, %get3A_953] {strides = array<i32>} : memref<2x16x2048xf32, #tpu.memory_space<vmem>>, vector<1x1x16xf32>,
          %get3A_955 = vector.shape_cast %get3A_954 : vector<1x1x16xf32> to vector<16xf32>
          %max3A_956 = arith.maximumf %max3A_892, %get3A_955 : vector<16xf32>
          %add3A_957 = arith.constant 80 : i32
          %add3A_958 = arith.addi %mul3A_796, %add3A_957 : i32
          %get3A_959 = arith.index_cast %select_n3A_138 : i32 to index
          %get3A_960 = arith.index_cast %add3A_238 : i32 to index
          %get3A_961 = arith.index_cast %add3A_958 : i32 to index
          %get3A_962 = tpu.vector_load %arg5[%get3A_959, %get3A_960, %get3A_961] {strides = array<i32>} : memref<2x16x2048xf32, #tpu.memory_space<vmem>>, vector<1x1x16xf32>,
          %get3A_963 = vector.shape_cast %get3A_962 : vector<1x1x16xf32> to vector<16xf32>
          %max3A_964 = arith.maximumf %max3A_900, %get3A_963 : vector<16xf32>
          %add3A_965 = arith.constant 80 : i32
          %add3A_966 = arith.addi %mul3A_796, %add3A_965 : i32
          %get3A_967 = arith.index_cast %select_n3A_138 : i32 to index
          %get3A_968 = arith.index_cast %add3A_242 : i32 to index
          %get3A_969 = arith.index_cast %add3A_966 : i32 to index
          %get3A_970 = tpu.vector_load %arg5[%get3A_967, %get3A_968, %get3A_969] {strides = array<i32>} : memref<2x16x2048xf32, #tpu.memory_space<vmem>>, vector<1x1x16xf32>,
          %get3A_971 = vector.shape_cast %get3A_970 : vector<1x1x16xf32> to vector<16xf32>
          %max3A_972 = arith.maximumf %max3A_908, %get3A_971 : vector<16xf32>
          %add3A_973 = arith.constant 80 : i32
          %add3A_974 = arith.addi %mul3A_796, %add3A_973 : i32
          %get3A_975 = arith.index_cast %select_n3A_138 : i32 to index
          %get3A_976 = arith.index_cast %add3A_246 : i32 to index
          %get3A_977 = arith.index_cast %add3A_974 : i32 to index
          %get3A_978 = tpu.vector_load %arg5[%get3A_975, %get3A_976, %get3A_977] {strides = array<i32>} : memref<2x16x2048xf32, #tpu.memory_space<vmem>>, vector<1x1x16xf32>,
          %get3A_979 = vector.shape_cast %get3A_978 : vector<1x1x16xf32> to vector<16xf32>
          %max3A_980 = arith.maximumf %max3A_916, %get3A_979 : vector<16xf32>
          %add3A_981 = arith.constant 80 : i32
          %add3A_982 = arith.addi %mul3A_796, %add3A_981 : i32
          %get3A_983 = arith.index_cast %select_n3A_138 : i32 to index
          %get3A_984 = arith.index_cast %add3A_250 : i32 to index
          %get3A_985 = arith.index_cast %add3A_982 : i32 to index
          %get3A_986 = tpu.vector_load %arg5[%get3A_983, %get3A_984, %get3A_985] {strides = array<i32>} : memref<2x16x2048xf32, #tpu.memory_space<vmem>>, vector<1x1x16xf32>,
          %get3A_987 = vector.shape_cast %get3A_986 : vector<1x1x16xf32> to vector<16xf32>
          %max3A_988 = arith.maximumf %max3A_924, %get3A_987 : vector<16xf32>
          %add3A_989 = arith.constant 96 : i32
          %add3A_990 = arith.addi %mul3A_796, %add3A_989 : i32
          %get3A_991 = arith.index_cast %select_n3A_138 : i32 to index
          %get3A_992 = arith.index_cast %add3A_238 : i32 to index
          %get3A_993 = arith.index_cast %add3A_990 : i32 to index
          %get3A_994 = tpu.vector_load %arg5[%get3A_991, %get3A_992, %get3A_993] {strides = array<i32>} : memref<2x16x2048xf32, #tpu.memory_space<vmem>>, vector<1x1x16xf32>,
          %get3A_995 = vector.shape_cast %get3A_994 : vector<1x1x16xf32> to vector<16xf32>
          %max3A_996 = arith.maximumf %max3A_932, %get3A_995 : vector<16xf32>
          %add3A_997 = arith.constant 96 : i32
          %add3A_998 = arith.addi %mul3A_796, %add3A_997 : i32
          %get3A_999 = arith.index_cast %select_n3A_138 : i32 to index
          %get3A_1000 = arith.index_cast %add3A_242 : i32 to index
          %get3A_1001 = arith.index_cast %add3A_998 : i32 to index
          %get3A_1002 = tpu.vector_load %arg5[%get3A_999, %get3A_1000, %get3A_1001] {strides = array<i32>} : memref<2x16x2048xf32, #tpu.memory_space<vmem>>, vector<1x1x16xf32>,
          %get3A_1003 = vector.shape_cast %get3A_1002 : vector<1x1x16xf32> to vector<16xf32>
          %max3A_1004 = arith.maximumf %max3A_940, %get3A_1003 : vector<16xf32>
          %add3A_1005 = arith.constant 96 : i32
          %add3A_1006 = arith.addi %mul3A_796, %add3A_1005 : i32
          %get3A_1007 = arith.index_cast %select_n3A_138 : i32 to index
          %get3A_1008 = arith.index_cast %add3A_246 : i32 to index
          %get3A_1009 = arith.index_cast %add3A_1006 : i32 to index
          %get3A_1010 = tpu.vector_load %arg5[%get3A_1007, %get3A_1008, %get3A_1009] {strides = array<i32>} : memref<2x16x2048xf32, #tpu.memory_space<vmem>>, vector<1x1x16xf32>,
          %get3A_1011 = vector.shape_cast %get3A_1010 : vector<1x1x16xf32> to vector<16xf32>
          %max3A_1012 = arith.maximumf %max3A_948, %get3A_1011 : vector<16xf32>
          %add3A_1013 = arith.constant 96 : i32
          %add3A_1014 = arith.addi %mul3A_796, %add3A_1013 : i32
          %get3A_1015 = arith.index_cast %select_n3A_138 : i32 to index
          %get3A_1016 = arith.index_cast %add3A_250 : i32 to index
          %get3A_1017 = arith.index_cast %add3A_1014 : i32 to index
          %get3A_1018 = tpu.vector_load %arg5[%get3A_1015, %get3A_1016, %get3A_1017] {strides = array<i32>} : memref<2x16x2048xf32, #tpu.memory_space<vmem>>, vector<1x1x16xf32>,
          %get3A_1019 = vector.shape_cast %get3A_1018 : vector<1x1x16xf32> to vector<16xf32>
          %max3A_1020 = arith.maximumf %max3A_956, %get3A_1019 : vector<16xf32>
          %add3A_1021 = arith.constant 112 : i32
          %add3A_1022 = arith.addi %mul3A_796, %add3A_1021 : i32
          %get3A_1023 = arith.index_cast %select_n3A_138 : i32 to index
          %get3A_1024 = arith.index_cast %add3A_238 : i32 to index
          %get3A_1025 = arith.index_cast %add3A_1022 : i32 to index
          %get3A_1026 = tpu.vector_load %arg5[%get3A_1023, %get3A_1024, %get3A_1025] {strides = array<i32>} : memref<2x16x2048xf32, #tpu.memory_space<vmem>>, vector<1x1x16xf32>,
          %get3A_1027 = vector.shape_cast %get3A_1026 : vector<1x1x16xf32> to vector<16xf32>
          %max3A_1028 = arith.maximumf %max3A_964, %get3A_1027 : vector<16xf32>
          %add3A_1029 = arith.constant 112 : i32
          %add3A_1030 = arith.addi %mul3A_796, %add3A_1029 : i32
          %get3A_1031 = arith.index_cast %select_n3A_138 : i32 to index
          %get3A_1032 = arith.index_cast %add3A_242 : i32 to index
          %get3A_1033 = arith.index_cast %add3A_1030 : i32 to index
          %get3A_1034 = tpu.vector_load %arg5[%get3A_1031, %get3A_1032, %get3A_1033] {strides = array<i32>} : memref<2x16x2048xf32, #tpu.memory_space<vmem>>, vector<1x1x16xf32>,
          %get3A_1035 = vector.shape_cast %get3A_1034 : vector<1x1x16xf32> to vector<16xf32>
          %max3A_1036 = arith.maximumf %max3A_972, %get3A_1035 : vector<16xf32>
          %add3A_1037 = arith.constant 112 : i32
          %add3A_1038 = arith.addi %mul3A_796, %add3A_1037 : i32
          %get3A_1039 = arith.index_cast %select_n3A_138 : i32 to index
          %get3A_1040 = arith.index_cast %add3A_246 : i32 to index
          %get3A_1041 = arith.index_cast %add3A_1038 : i32 to index
          %get3A_1042 = tpu.vector_load %arg5[%get3A_1039, %get3A_1040, %get3A_1041] {strides = array<i32>} : memref<2x16x2048xf32, #tpu.memory_space<vmem>>, vector<1x1x16xf32>,
          %get3A_1043 = vector.shape_cast %get3A_1042 : vector<1x1x16xf32> to vector<16xf32>
          %max3A_1044 = arith.maximumf %max3A_980, %get3A_1043 : vector<16xf32>
          %add3A_1045 = arith.constant 112 : i32
          %add3A_1046 = arith.addi %mul3A_796, %add3A_1045 : i32
          %get3A_1047 = arith.index_cast %select_n3A_138 : i32 to index
          %get3A_1048 = arith.index_cast %add3A_250 : i32 to index
          %get3A_1049 = arith.index_cast %add3A_1046 : i32 to index
          %get3A_1050 = tpu.vector_load %arg5[%get3A_1047, %get3A_1048, %get3A_1049] {strides = array<i32>} : memref<2x16x2048xf32, #tpu.memory_space<vmem>>, vector<1x1x16xf32>,
          %get3A_1051 = vector.shape_cast %get3A_1050 : vector<1x1x16xf32> to vector<16xf32>
          %max3A_1052 = arith.maximumf %max3A_988, %get3A_1051 : vector<16xf32>
          scf.yield %max3A_996, %max3A_1028, %max3A_1004, %max3A_1036, %max3A_1012, %max3A_1044, %max3A_1020, %max3A_1052 : vector<16xf32>, vector<16xf32>, vector<16xf32>, vector<16xf32>, vector<16xf32>, vector<16xf32>, vector<16xf32>, vector<16xf32>
        }
        %while3A_260 = arith.constant 1 : i32
        %while3A_261:8 = scf.for %while3A_786 = %while3A_257 to %while3A_253 step %while3A_260 iter_args(%while3A_787 = %while3A_259#0, %while3A_788 = %while3A_259#1, %while3A_789 = %while3A_259#2, %while3A_790 = %while3A_259#3, %while3A_791 = %while3A_259#4, %while3A_792 = %while3A_259#5, %while3A_793 = %while3A_259#6, %while3A_794 = %while3A_259#7) -> (vector<16xf32>, vector<16xf32>, vector<16xf32>, vector<16xf32>, vector<16xf32>, vector<16xf32>, vector<16xf32>, vector<16xf32>)  : i32 {
          %mul3A_795 = arith.constant 128 : i32
          %mul3A_796 = arith.muli %while3A_786, %mul3A_795 : i32
          %add3A_797 = arith.constant 0 : i32
          %add3A_798 = arith.addi %mul3A_796, %add3A_797 : i32
          %get3A_799 = arith.index_cast %select_n3A_138 : i32 to index
          %get3A_800 = arith.index_cast %add3A_238 : i32 to index
          %get3A_801 = arith.index_cast %add3A_798 : i32 to index
          %get3A_802 = tpu.vector_load %arg5[%get3A_799, %get3A_800, %get3A_801] {strides = array<i32>} : memref<2x16x2048xf32, #tpu.memory_space<vmem>>, vector<1x1x16xf32>,
          %get3A_803 = vector.shape_cast %get3A_802 : vector<1x1x16xf32> to vector<16xf32>
          %max3A_804 = arith.maximumf %while3A_787, %get3A_803 : vector<16xf32>
          %add3A_805 = arith.constant 0 : i32
          %add3A_806 = arith.addi %mul3A_796, %add3A_805 : i32
          %get3A_807 = arith.index_cast %select_n3A_138 : i32 to index
          %get3A_808 = arith.index_cast %add3A_242 : i32 to index
          %get3A_809 = arith.index_cast %add3A_806 : i32 to index
          %get3A_810 = tpu.vector_load %arg5[%get3A_807, %get3A_808, %get3A_809] {strides = array<i32>} : memref<2x16x2048xf32, #tpu.memory_space<vmem>>, vector<1x1x16xf32>,
          %get3A_811 = vector.shape_cast %get3A_810 : vector<1x1x16xf32> to vector<16xf32>
          %max3A_812 = arith.maximumf %while3A_789, %get3A_811 : vector<16xf32>
          %add3A_813 = arith.constant 0 : i32
          %add3A_814 = arith.addi %mul3A_796, %add3A_813 : i32
          %get3A_815 = arith.index_cast %select_n3A_138 : i32 to index
          %get3A_816 = arith.index_cast %add3A_246 : i32 to index
          %get3A_817 = arith.index_cast %add3A_814 : i32 to index
          %get3A_818 = tpu.vector_load %arg5[%get3A_815, %get3A_816, %get3A_817] {strides = array<i32>} : memref<2x16x2048xf32, #tpu.memory_space<vmem>>, vector<1x1x16xf32>,
          %get3A_819 = vector.shape_cast %get3A_818 : vector<1x1x16xf32> to vector<16xf32>
          %max3A_820 = arith.maximumf %while3A_791, %get3A_819 : vector<16xf32>
          %add3A_821 = arith.constant 0 : i32
          %add3A_822 = arith.addi %mul3A_796, %add3A_821 : i32
          %get3A_823 = arith.index_cast %select_n3A_138 : i32 to index
          %get3A_824 = arith.index_cast %add3A_250 : i32 to index
          %get3A_825 = arith.index_cast %add3A_822 : i32 to index
          %get3A_826 = tpu.vector_load %arg5[%get3A_823, %get3A_824, %get3A_825] {strides = array<i32>} : memref<2x16x2048xf32, #tpu.memory_space<vmem>>, vector<1x1x16xf32>,
          %get3A_827 = vector.shape_cast %get3A_826 : vector<1x1x16xf32> to vector<16xf32>
          %max3A_828 = arith.maximumf %while3A_793, %get3A_827 : vector<16xf32>
          %add3A_829 = arith.constant 16 : i32
          %add3A_830 = arith.addi %mul3A_796, %add3A_829 : i32
          %get3A_831 = arith.index_cast %select_n3A_138 : i32 to index
          %get3A_832 = arith.index_cast %add3A_238 : i32 to index
          %get3A_833 = arith.index_cast %add3A_830 : i32 to index
          %get3A_834 = tpu.vector_load %arg5[%get3A_831, %get3A_832, %get3A_833] {strides = array<i32>} : memref<2x16x2048xf32, #tpu.memory_space<vmem>>, vector<1x1x16xf32>,
          %get3A_835 = vector.shape_cast %get3A_834 : vector<1x1x16xf32> to vector<16xf32>
          %max3A_836 = arith.maximumf %while3A_788, %get3A_835 : vector<16xf32>
          %add3A_837 = arith.constant 16 : i32
          %add3A_838 = arith.addi %mul3A_796, %add3A_837 : i32
          %get3A_839 = arith.index_cast %select_n3A_138 : i32 to index
          %get3A_840 = arith.index_cast %add3A_242 : i32 to index
          %get3A_841 = arith.index_cast %add3A_838 : i32 to index
          %get3A_842 = tpu.vector_load %arg5[%get3A_839, %get3A_840, %get3A_841] {strides = array<i32>} : memref<2x16x2048xf32, #tpu.memory_space<vmem>>, vector<1x1x16xf32>,
          %get3A_843 = vector.shape_cast %get3A_842 : vector<1x1x16xf32> to vector<16xf32>
          %max3A_844 = arith.maximumf %while3A_790, %get3A_843 : vector<16xf32>
          %add3A_845 = arith.constant 16 : i32
          %add3A_846 = arith.addi %mul3A_796, %add3A_845 : i32
          %get3A_847 = arith.index_cast %select_n3A_138 : i32 to index
          %get3A_848 = arith.index_cast %add3A_246 : i32 to index
          %get3A_849 = arith.index_cast %add3A_846 : i32 to index
          %get3A_850 = tpu.vector_load %arg5[%get3A_847, %get3A_848, %get3A_849] {strides = array<i32>} : memref<2x16x2048xf32, #tpu.memory_space<vmem>>, vector<1x1x16xf32>,
          %get3A_851 = vector.shape_cast %get3A_850 : vector<1x1x16xf32> to vector<16xf32>
          %max3A_852 = arith.maximumf %while3A_792, %get3A_851 : vector<16xf32>
          %add3A_853 = arith.constant 16 : i32
          %add3A_854 = arith.addi %mul3A_796, %add3A_853 : i32
          %get3A_855 = arith.index_cast %select_n3A_138 : i32 to index
          %get3A_856 = arith.index_cast %add3A_250 : i32 to index
          %get3A_857 = arith.index_cast %add3A_854 : i32 to index
          %get3A_858 = tpu.vector_load %arg5[%get3A_855, %get3A_856, %get3A_857] {strides = array<i32>} : memref<2x16x2048xf32, #tpu.memory_space<vmem>>, vector<1x1x16xf32>,
          %get3A_859 = vector.shape_cast %get3A_858 : vector<1x1x16xf32> to vector<16xf32>
          %max3A_860 = arith.maximumf %while3A_794, %get3A_859 : vector<16xf32>
          %add3A_861 = arith.constant 32 : i32
          %add3A_862 = arith.addi %mul3A_796, %add3A_861 : i32
          %get3A_863 = arith.index_cast %select_n3A_138 : i32 to index
          %get3A_864 = arith.index_cast %add3A_238 : i32 to index
          %get3A_865 = arith.index_cast %add3A_862 : i32 to index
          %get3A_866 = tpu.vector_load %arg5[%get3A_863, %get3A_864, %get3A_865] {strides = array<i32>} : memref<2x16x2048xf32, #tpu.memory_space<vmem>>, vector<1x1x16xf32>,
          %get3A_867 = vector.shape_cast %get3A_866 : vector<1x1x16xf32> to vector<16xf32>
          %max3A_868 = arith.maximumf %max3A_804, %get3A_867 : vector<16xf32>
          %add3A_869 = arith.constant 32 : i32
          %add3A_870 = arith.addi %mul3A_796, %add3A_869 : i32
          %get3A_871 = arith.index_cast %select_n3A_138 : i32 to index
          %get3A_872 = arith.index_cast %add3A_242 : i32 to index
          %get3A_873 = arith.index_cast %add3A_870 : i32 to index
          %get3A_874 = tpu.vector_load %arg5[%get3A_871, %get3A_872, %get3A_873] {strides = array<i32>} : memref<2x16x2048xf32, #tpu.memory_space<vmem>>, vector<1x1x16xf32>,
          %get3A_875 = vector.shape_cast %get3A_874 : vector<1x1x16xf32> to vector<16xf32>
          %max3A_876 = arith.maximumf %max3A_812, %get3A_875 : vector<16xf32>
          %add3A_877 = arith.constant 32 : i32
          %add3A_878 = arith.addi %mul3A_796, %add3A_877 : i32
          %get3A_879 = arith.index_cast %select_n3A_138 : i32 to index
          %get3A_880 = arith.index_cast %add3A_246 : i32 to index
          %get3A_881 = arith.index_cast %add3A_878 : i32 to index
          %get3A_882 = tpu.vector_load %arg5[%get3A_879, %get3A_880, %get3A_881] {strides = array<i32>} : memref<2x16x2048xf32, #tpu.memory_space<vmem>>, vector<1x1x16xf32>,
          %get3A_883 = vector.shape_cast %get3A_882 : vector<1x1x16xf32> to vector<16xf32>
          %max3A_884 = arith.maximumf %max3A_820, %get3A_883 : vector<16xf32>
          %add3A_885 = arith.constant 32 : i32
          %add3A_886 = arith.addi %mul3A_796, %add3A_885 : i32
          %get3A_887 = arith.index_cast %select_n3A_138 : i32 to index
          %get3A_888 = arith.index_cast %add3A_250 : i32 to index
          %get3A_889 = arith.index_cast %add3A_886 : i32 to index
          %get3A_890 = tpu.vector_load %arg5[%get3A_887, %get3A_888, %get3A_889] {strides = array<i32>} : memref<2x16x2048xf32, #tpu.memory_space<vmem>>, vector<1x1x16xf32>,
          %get3A_891 = vector.shape_cast %get3A_890 : vector<1x1x16xf32> to vector<16xf32>
          %max3A_892 = arith.maximumf %max3A_828, %get3A_891 : vector<16xf32>
          %add3A_893 = arith.constant 48 : i32
          %add3A_894 = arith.addi %mul3A_796, %add3A_893 : i32
          %get3A_895 = arith.index_cast %select_n3A_138 : i32 to index
          %get3A_896 = arith.index_cast %add3A_238 : i32 to index
          %get3A_897 = arith.index_cast %add3A_894 : i32 to index
          %get3A_898 = tpu.vector_load %arg5[%get3A_895, %get3A_896, %get3A_897] {strides = array<i32>} : memref<2x16x2048xf32, #tpu.memory_space<vmem>>, vector<1x1x16xf32>,
          %get3A_899 = vector.shape_cast %get3A_898 : vector<1x1x16xf32> to vector<16xf32>
          %max3A_900 = arith.maximumf %max3A_836, %get3A_899 : vector<16xf32>
          %add3A_901 = arith.constant 48 : i32
          %add3A_902 = arith.addi %mul3A_796, %add3A_901 : i32
          %get3A_903 = arith.index_cast %select_n3A_138 : i32 to index
          %get3A_904 = arith.index_cast %add3A_242 : i32 to index
          %get3A_905 = arith.index_cast %add3A_902 : i32 to index
          %get3A_906 = tpu.vector_load %arg5[%get3A_903, %get3A_904, %get3A_905] {strides = array<i32>} : memref<2x16x2048xf32, #tpu.memory_space<vmem>>, vector<1x1x16xf32>,
          %get3A_907 = vector.shape_cast %get3A_906 : vector<1x1x16xf32> to vector<16xf32>
          %max3A_908 = arith.maximumf %max3A_844, %get3A_907 : vector<16xf32>
          %add3A_909 = arith.constant 48 : i32
          %add3A_910 = arith.addi %mul3A_796, %add3A_909 : i32
          %get3A_911 = arith.index_cast %select_n3A_138 : i32 to index
          %get3A_912 = arith.index_cast %add3A_246 : i32 to index
          %get3A_913 = arith.index_cast %add3A_910 : i32 to index
          %get3A_914 = tpu.vector_load %arg5[%get3A_911, %get3A_912, %get3A_913] {strides = array<i32>} : memref<2x16x2048xf32, #tpu.memory_space<vmem>>, vector<1x1x16xf32>,
          %get3A_915 = vector.shape_cast %get3A_914 : vector<1x1x16xf32> to vector<16xf32>
          %max3A_916 = arith.maximumf %max3A_852, %get3A_915 : vector<16xf32>
          %add3A_917 = arith.constant 48 : i32
          %add3A_918 = arith.addi %mul3A_796, %add3A_917 : i32
          %get3A_919 = arith.index_cast %select_n3A_138 : i32 to index
          %get3A_920 = arith.index_cast %add3A_250 : i32 to index
          %get3A_921 = arith.index_cast %add3A_918 : i32 to index
          %get3A_922 = tpu.vector_load %arg5[%get3A_919, %get3A_920, %get3A_921] {strides = array<i32>} : memref<2x16x2048xf32, #tpu.memory_space<vmem>>, vector<1x1x16xf32>,
          %get3A_923 = vector.shape_cast %get3A_922 : vector<1x1x16xf32> to vector<16xf32>
          %max3A_924 = arith.maximumf %max3A_860, %get3A_923 : vector<16xf32>
          %add3A_925 = arith.constant 64 : i32
          %add3A_926 = arith.addi %mul3A_796, %add3A_925 : i32
          %get3A_927 = arith.index_cast %select_n3A_138 : i32 to index
          %get3A_928 = arith.index_cast %add3A_238 : i32 to index
          %get3A_929 = arith.index_cast %add3A_926 : i32 to index
          %get3A_930 = tpu.vector_load %arg5[%get3A_927, %get3A_928, %get3A_929] {strides = array<i32>} : memref<2x16x2048xf32, #tpu.memory_space<vmem>>, vector<1x1x16xf32>,
          %get3A_931 = vector.shape_cast %get3A_930 : vector<1x1x16xf32> to vector<16xf32>
          %max3A_932 = arith.maximumf %max3A_868, %get3A_931 : vector<16xf32>
          %add3A_933 = arith.constant 64 : i32
          %add3A_934 = arith.addi %mul3A_796, %add3A_933 : i32
          %get3A_935 = arith.index_cast %select_n3A_138 : i32 to index
          %get3A_936 = arith.index_cast %add3A_242 : i32 to index
          %get3A_937 = arith.index_cast %add3A_934 : i32 to index
          %get3A_938 = tpu.vector_load %arg5[%get3A_935, %get3A_936, %get3A_937] {strides = array<i32>} : memref<2x16x2048xf32, #tpu.memory_space<vmem>>, vector<1x1x16xf32>,
          %get3A_939 = vector.shape_cast %get3A_938 : vector<1x1x16xf32> to vector<16xf32>
          %max3A_940 = arith.maximumf %max3A_876, %get3A_939 : vector<16xf32>
          %add3A_941 = arith.constant 64 : i32
          %add3A_942 = arith.addi %mul3A_796, %add3A_941 : i32
          %get3A_943 = arith.index_cast %select_n3A_138 : i32 to index
          %get3A_944 = arith.index_cast %add3A_246 : i32 to index
          %get3A_945 = arith.index_cast %add3A_942 : i32 to index
          %get3A_946 = tpu.vector_load %arg5[%get3A_943, %get3A_944, %get3A_945] {strides = array<i32>} : memref<2x16x2048xf32, #tpu.memory_space<vmem>>, vector<1x1x16xf32>,
          %get3A_947 = vector.shape_cast %get3A_946 : vector<1x1x16xf32> to vector<16xf32>
          %max3A_948 = arith.maximumf %max3A_884, %get3A_947 : vector<16xf32>
          %add3A_949 = arith.constant 64 : i32
          %add3A_950 = arith.addi %mul3A_796, %add3A_949 : i32
          %get3A_951 = arith.index_cast %select_n3A_138 : i32 to index
          %get3A_952 = arith.index_cast %add3A_250 : i32 to index
          %get3A_953 = arith.index_cast %add3A_950 : i32 to index
          %get3A_954 = tpu.vector_load %arg5[%get3A_951, %get3A_952, %get3A_953] {strides = array<i32>} : memref<2x16x2048xf32, #tpu.memory_space<vmem>>, vector<1x1x16xf32>,
          %get3A_955 = vector.shape_cast %get3A_954 : vector<1x1x16xf32> to vector<16xf32>
          %max3A_956 = arith.maximumf %max3A_892, %get3A_955 : vector<16xf32>
          %add3A_957 = arith.constant 80 : i32
          %add3A_958 = arith.addi %mul3A_796, %add3A_957 : i32
          %get3A_959 = arith.index_cast %select_n3A_138 : i32 to index
          %get3A_960 = arith.index_cast %add3A_238 : i32 to index
          %get3A_961 = arith.index_cast %add3A_958 : i32 to index
          %get3A_962 = tpu.vector_load %arg5[%get3A_959, %get3A_960, %get3A_961] {strides = array<i32>} : memref<2x16x2048xf32, #tpu.memory_space<vmem>>, vector<1x1x16xf32>,
          %get3A_963 = vector.shape_cast %get3A_962 : vector<1x1x16xf32> to vector<16xf32>
          %max3A_964 = arith.maximumf %max3A_900, %get3A_963 : vector<16xf32>
          %add3A_965 = arith.constant 80 : i32
          %add3A_966 = arith.addi %mul3A_796, %add3A_965 : i32
          %get3A_967 = arith.index_cast %select_n3A_138 : i32 to index
          %get3A_968 = arith.index_cast %add3A_242 : i32 to index
          %get3A_969 = arith.index_cast %add3A_966 : i32 to index
          %get3A_970 = tpu.vector_load %arg5[%get3A_967, %get3A_968, %get3A_969] {strides = array<i32>} : memref<2x16x2048xf32, #tpu.memory_space<vmem>>, vector<1x1x16xf32>,
          %get3A_971 = vector.shape_cast %get3A_970 : vector<1x1x16xf32> to vector<16xf32>
          %max3A_972 = arith.maximumf %max3A_908, %get3A_971 : vector<16xf32>
          %add3A_973 = arith.constant 80 : i32
          %add3A_974 = arith.addi %mul3A_796, %add3A_973 : i32
          %get3A_975 = arith.index_cast %select_n3A_138 : i32 to index
          %get3A_976 = arith.index_cast %add3A_246 : i32 to index
          %get3A_977 = arith.index_cast %add3A_974 : i32 to index
          %get3A_978 = tpu.vector_load %arg5[%get3A_975, %get3A_976, %get3A_977] {strides = array<i32>} : memref<2x16x2048xf32, #tpu.memory_space<vmem>>, vector<1x1x16xf32>,
          %get3A_979 = vector.shape_cast %get3A_978 : vector<1x1x16xf32> to vector<16xf32>
          %max3A_980 = arith.maximumf %max3A_916, %get3A_979 : vector<16xf32>
          %add3A_981 = arith.constant 80 : i32
          %add3A_982 = arith.addi %mul3A_796, %add3A_981 : i32
          %get3A_983 = arith.index_cast %select_n3A_138 : i32 to index
          %get3A_984 = arith.index_cast %add3A_250 : i32 to index
          %get3A_985 = arith.index_cast %add3A_982 : i32 to index
          %get3A_986 = tpu.vector_load %arg5[%get3A_983, %get3A_984, %get3A_985] {strides = array<i32>} : memref<2x16x2048xf32, #tpu.memory_space<vmem>>, vector<1x1x16xf32>,
          %get3A_987 = vector.shape_cast %get3A_986 : vector<1x1x16xf32> to vector<16xf32>
          %max3A_988 = arith.maximumf %max3A_924, %get3A_987 : vector<16xf32>
          %add3A_989 = arith.constant 96 : i32
          %add3A_990 = arith.addi %mul3A_796, %add3A_989 : i32
          %get3A_991 = arith.index_cast %select_n3A_138 : i32 to index
          %get3A_992 = arith.index_cast %add3A_238 : i32 to index
          %get3A_993 = arith.index_cast %add3A_990 : i32 to index
          %get3A_994 = tpu.vector_load %arg5[%get3A_991, %get3A_992, %get3A_993] {strides = array<i32>} : memref<2x16x2048xf32, #tpu.memory_space<vmem>>, vector<1x1x16xf32>,
          %get3A_995 = vector.shape_cast %get3A_994 : vector<1x1x16xf32> to vector<16xf32>
          %max3A_996 = arith.maximumf %max3A_932, %get3A_995 : vector<16xf32>
          %add3A_997 = arith.constant 96 : i32
          %add3A_998 = arith.addi %mul3A_796, %add3A_997 : i32
          %get3A_999 = arith.index_cast %select_n3A_138 : i32 to index
          %get3A_1000 = arith.index_cast %add3A_242 : i32 to index
          %get3A_1001 = arith.index_cast %add3A_998 : i32 to index
          %get3A_1002 = tpu.vector_load %arg5[%get3A_999, %get3A_1000, %get3A_1001] {strides = array<i32>} : memref<2x16x2048xf32, #tpu.memory_space<vmem>>, vector<1x1x16xf32>,
          %get3A_1003 = vector.shape_cast %get3A_1002 : vector<1x1x16xf32> to vector<16xf32>
          %max3A_1004 = arith.maximumf %max3A_940, %get3A_1003 : vector<16xf32>
          %add3A_1005 = arith.constant 96 : i32
          %add3A_1006 = arith.addi %mul3A_796, %add3A_1005 : i32
          %get3A_1007 = arith.index_cast %select_n3A_138 : i32 to index
          %get3A_1008 = arith.index_cast %add3A_246 : i32 to index
          %get3A_1009 = arith.index_cast %add3A_1006 : i32 to index
          %get3A_1010 = tpu.vector_load %arg5[%get3A_1007, %get3A_1008, %get3A_1009] {strides = array<i32>} : memref<2x16x2048xf32, #tpu.memory_space<vmem>>, vector<1x1x16xf32>,
          %get3A_1011 = vector.shape_cast %get3A_1010 : vector<1x1x16xf32> to vector<16xf32>
          %max3A_1012 = arith.maximumf %max3A_948, %get3A_1011 : vector<16xf32>
          %add3A_1013 = arith.constant 96 : i32
          %add3A_1014 = arith.addi %mul3A_796, %add3A_1013 : i32
          %get3A_1015 = arith.index_cast %select_n3A_138 : i32 to index
          %get3A_1016 = arith.index_cast %add3A_250 : i32 to index
          %get3A_1017 = arith.index_cast %add3A_1014 : i32 to index
          %get3A_1018 = tpu.vector_load %arg5[%get3A_1015, %get3A_1016, %get3A_1017] {strides = array<i32>} : memref<2x16x2048xf32, #tpu.memory_space<vmem>>, vector<1x1x16xf32>,
          %get3A_1019 = vector.shape_cast %get3A_1018 : vector<1x1x16xf32> to vector<16xf32>
          %max3A_1020 = arith.maximumf %max3A_956, %get3A_1019 : vector<16xf32>
          %add3A_1021 = arith.constant 112 : i32
          %add3A_1022 = arith.addi %mul3A_796, %add3A_1021 : i32
          %get3A_1023 = arith.index_cast %select_n3A_138 : i32 to index
          %get3A_1024 = arith.index_cast %add3A_238 : i32 to index
          %get3A_1025 = arith.index_cast %add3A_1022 : i32 to index
          %get3A_1026 = tpu.vector_load %arg5[%get3A_1023, %get3A_1024, %get3A_1025] {strides = array<i32>} : memref<2x16x2048xf32, #tpu.memory_space<vmem>>, vector<1x1x16xf32>,
          %get3A_1027 = vector.shape_cast %get3A_1026 : vector<1x1x16xf32> to vector<16xf32>
          %max3A_1028 = arith.maximumf %max3A_964, %get3A_1027 : vector<16xf32>
          %add3A_1029 = arith.constant 112 : i32
          %add3A_1030 = arith.addi %mul3A_796, %add3A_1029 : i32
          %get3A_1031 = arith.index_cast %select_n3A_138 : i32 to index
          %get3A_1032 = arith.index_cast %add3A_242 : i32 to index
          %get3A_1033 = arith.index_cast %add3A_1030 : i32 to index
          %get3A_1034 = tpu.vector_load %arg5[%get3A_1031, %get3A_1032, %get3A_1033] {strides = array<i32>} : memref<2x16x2048xf32, #tpu.memory_space<vmem>>, vector<1x1x16xf32>,
          %get3A_1035 = vector.shape_cast %get3A_1034 : vector<1x1x16xf32> to vector<16xf32>
          %max3A_1036 = arith.maximumf %max3A_972, %get3A_1035 : vector<16xf32>
          %add3A_1037 = arith.constant 112 : i32
          %add3A_1038 = arith.addi %mul3A_796, %add3A_1037 : i32
          %get3A_1039 = arith.index_cast %select_n3A_138 : i32 to index
          %get3A_1040 = arith.index_cast %add3A_246 : i32 to index
          %get3A_1041 = arith.index_cast %add3A_1038 : i32 to index
          %get3A_1042 = tpu.vector_load %arg5[%get3A_1039, %get3A_1040, %get3A_1041] {strides = array<i32>} : memref<2x16x2048xf32, #tpu.memory_space<vmem>>, vector<1x1x16xf32>,
          %get3A_1043 = vector.shape_cast %get3A_1042 : vector<1x1x16xf32> to vector<16xf32>
          %max3A_1044 = arith.maximumf %max3A_980, %get3A_1043 : vector<16xf32>
          %add3A_1045 = arith.constant 112 : i32
          %add3A_1046 = arith.addi %mul3A_796, %add3A_1045 : i32
          %get3A_1047 = arith.index_cast %select_n3A_138 : i32 to index
          %get3A_1048 = arith.index_cast %add3A_250 : i32 to index
          %get3A_1049 = arith.index_cast %add3A_1046 : i32 to index
          %get3A_1050 = tpu.vector_load %arg5[%get3A_1047, %get3A_1048, %get3A_1049] {strides = array<i32>} : memref<2x16x2048xf32, #tpu.memory_space<vmem>>, vector<1x1x16xf32>,
          %get3A_1051 = vector.shape_cast %get3A_1050 : vector<1x1x16xf32> to vector<16xf32>
          %max3A_1052 = arith.maximumf %max3A_988, %get3A_1051 : vector<16xf32>
          scf.yield %max3A_996, %max3A_1028, %max3A_1004, %max3A_1036, %max3A_1012, %max3A_1044, %max3A_1020, %max3A_1052 : vector<16xf32>, vector<16xf32>, vector<16xf32>, vector<16xf32>, vector<16xf32>, vector<16xf32>, vector<16xf32>, vector<16xf32>
        }
        %add3A_262 = arith.constant 0 : i32
        %add3A_263 = arith.addi %min3A_165, %add3A_262 : i32
        %get3A_264 = arith.index_cast %select_n3A_138 : i32 to index
        %get3A_265 = arith.index_cast %add3A_238 : i32 to index
        %get3A_266 = arith.index_cast %add3A_263 : i32 to index
        %get3A_267 = tpu.vector_load %arg5[%get3A_264, %get3A_265, %get3A_266] {strides = array<i32>} : memref<2x16x2048xf32, #tpu.memory_space<vmem>>, vector<1x1x16xf32>,
        %get3A_268 = vector.shape_cast %get3A_267 : vector<1x1x16xf32> to vector<16xf32>
        %select_n3A_269 = arith.select %lt3A_171, %get3A_268, %broadcast_in_dim3A_21 : vector<16xi1>, vector<16xf32>
        %max3A = arith.maximumf %while3A_261#0, %select_n3A_269 : vector<16xf32>
        %add3A_270 = arith.constant 0 : i32
        %add3A_271 = arith.addi %min3A_165, %add3A_270 : i32
        %get3A_272 = arith.index_cast %select_n3A_138 : i32 to index
        %get3A_273 = arith.index_cast %add3A_242 : i32 to index
        %get3A_274 = arith.index_cast %add3A_271 : i32 to index
        %get3A_275 = tpu.vector_load %arg5[%get3A_272, %get3A_273, %get3A_274] {strides = array<i32>} : memref<2x16x2048xf32, #tpu.memory_space<vmem>>, vector<1x1x16xf32>,
        %get3A_276 = vector.shape_cast %get3A_275 : vector<1x1x16xf32> to vector<16xf32>
        %select_n3A_277 = arith.select %lt3A_171, %get3A_276, %broadcast_in_dim3A_21 : vector<16xi1>, vector<16xf32>
        %max3A_278 = arith.maximumf %while3A_261#2, %select_n3A_277 : vector<16xf32>
        %add3A_279 = arith.constant 0 : i32
        %add3A_280 = arith.addi %min3A_165, %add3A_279 : i32
        %get3A_281 = arith.index_cast %select_n3A_138 : i32 to index
        %get3A_282 = arith.index_cast %add3A_246 : i32 to index
        %get3A_283 = arith.index_cast %add3A_280 : i32 to index
        %get3A_284 = tpu.vector_load %arg5[%get3A_281, %get3A_282, %get3A_283] {strides = array<i32>} : memref<2x16x2048xf32, #tpu.memory_space<vmem>>, vector<1x1x16xf32>,
        %get3A_285 = vector.shape_cast %get3A_284 : vector<1x1x16xf32> to vector<16xf32>
        %select_n3A_286 = arith.select %lt3A_171, %get3A_285, %broadcast_in_dim3A_21 : vector<16xi1>, vector<16xf32>
        %max3A_287 = arith.maximumf %while3A_261#4, %select_n3A_286 : vector<16xf32>
        %add3A_288 = arith.constant 0 : i32
        %add3A_289 = arith.addi %min3A_165, %add3A_288 : i32
        %get3A_290 = arith.index_cast %select_n3A_138 : i32 to index
        %get3A_291 = arith.index_cast %add3A_250 : i32 to index
        %get3A_292 = arith.index_cast %add3A_289 : i32 to index
        %get3A_293 = tpu.vector_load %arg5[%get3A_290, %get3A_291, %get3A_292] {strides = array<i32>} : memref<2x16x2048xf32, #tpu.memory_space<vmem>>, vector<1x1x16xf32>,
        %get3A_294 = vector.shape_cast %get3A_293 : vector<1x1x16xf32> to vector<16xf32>
        %select_n3A_295 = arith.select %lt3A_171, %get3A_294, %broadcast_in_dim3A_21 : vector<16xi1>, vector<16xf32>
        %max3A_296 = arith.maximumf %while3A_261#6, %select_n3A_295 : vector<16xf32>
        %add3A_297 = arith.constant 16 : i32
        %add3A_298 = arith.addi %min3A_165, %add3A_297 : i32
        %get3A_299 = arith.index_cast %select_n3A_138 : i32 to index
        %get3A_300 = arith.index_cast %add3A_238 : i32 to index
        %get3A_301 = arith.index_cast %add3A_298 : i32 to index
        %get3A_302 = tpu.vector_load %arg5[%get3A_299, %get3A_300, %get3A_301] {strides = array<i32>} : memref<2x16x2048xf32, #tpu.memory_space<vmem>>, vector<1x1x16xf32>,
        %get3A_303 = vector.shape_cast %get3A_302 : vector<1x1x16xf32> to vector<16xf32>
        %select_n3A_304 = arith.select %lt3A_177, %get3A_303, %broadcast_in_dim3A_21 : vector<16xi1>, vector<16xf32>
        %max3A_305 = arith.maximumf %while3A_261#1, %select_n3A_304 : vector<16xf32>
        %add3A_306 = arith.constant 16 : i32
        %add3A_307 = arith.addi %min3A_165, %add3A_306 : i32
        %get3A_308 = arith.index_cast %select_n3A_138 : i32 to index
        %get3A_309 = arith.index_cast %add3A_242 : i32 to index
        %get3A_310 = arith.index_cast %add3A_307 : i32 to index
        %get3A_311 = tpu.vector_load %arg5[%get3A_308, %get3A_309, %get3A_310] {strides = array<i32>} : memref<2x16x2048xf32, #tpu.memory_space<vmem>>, vector<1x1x16xf32>,
        %get3A_312 = vector.shape_cast %get3A_311 : vector<1x1x16xf32> to vector<16xf32>
        %select_n3A_313 = arith.select %lt3A_177, %get3A_312, %broadcast_in_dim3A_21 : vector<16xi1>, vector<16xf32>
        %max3A_314 = arith.maximumf %while3A_261#3, %select_n3A_313 : vector<16xf32>
        %add3A_315 = arith.constant 16 : i32
        %add3A_316 = arith.addi %min3A_165, %add3A_315 : i32
        %get3A_317 = arith.index_cast %select_n3A_138 : i32 to index
        %get3A_318 = arith.index_cast %add3A_246 : i32 to index
        %get3A_319 = arith.index_cast %add3A_316 : i32 to index
        %get3A_320 = tpu.vector_load %arg5[%get3A_317, %get3A_318, %get3A_319] {strides = array<i32>} : memref<2x16x2048xf32, #tpu.memory_space<vmem>>, vector<1x1x16xf32>,
        %get3A_321 = vector.shape_cast %get3A_320 : vector<1x1x16xf32> to vector<16xf32>
        %select_n3A_322 = arith.select %lt3A_177, %get3A_321, %broadcast_in_dim3A_21 : vector<16xi1>, vector<16xf32>
        %max3A_323 = arith.maximumf %while3A_261#5, %select_n3A_322 : vector<16xf32>
        %add3A_324 = arith.constant 16 : i32
        %add3A_325 = arith.addi %min3A_165, %add3A_324 : i32
        %get3A_326 = arith.index_cast %select_n3A_138 : i32 to index
        %get3A_327 = arith.index_cast %add3A_250 : i32 to index
        %get3A_328 = arith.index_cast %add3A_325 : i32 to index
        %get3A_329 = tpu.vector_load %arg5[%get3A_326, %get3A_327, %get3A_328] {strides = array<i32>} : memref<2x16x2048xf32, #tpu.memory_space<vmem>>, vector<1x1x16xf32>,
        %get3A_330 = vector.shape_cast %get3A_329 : vector<1x1x16xf32> to vector<16xf32>
        %select_n3A_331 = arith.select %lt3A_177, %get3A_330, %broadcast_in_dim3A_21 : vector<16xi1>, vector<16xf32>
        %max3A_332 = arith.maximumf %while3A_261#7, %select_n3A_331 : vector<16xf32>
        %add3A_333 = arith.constant 32 : i32
        %add3A_334 = arith.addi %min3A_165, %add3A_333 : i32
        %get3A_335 = arith.index_cast %select_n3A_138 : i32 to index
        %get3A_336 = arith.index_cast %add3A_238 : i32 to index
        %get3A_337 = arith.index_cast %add3A_334 : i32 to index
        %get3A_338 = tpu.vector_load %arg5[%get3A_335, %get3A_336, %get3A_337] {strides = array<i32>} : memref<2x16x2048xf32, #tpu.memory_space<vmem>>, vector<1x1x16xf32>,
        %get3A_339 = vector.shape_cast %get3A_338 : vector<1x1x16xf32> to vector<16xf32>
        %select_n3A_340 = arith.select %lt3A_183, %get3A_339, %broadcast_in_dim3A_21 : vector<16xi1>, vector<16xf32>
        %max3A_341 = arith.maximumf %max3A, %select_n3A_340 : vector<16xf32>
        %add3A_342 = arith.constant 32 : i32
        %add3A_343 = arith.addi %min3A_165, %add3A_342 : i32
        %get3A_344 = arith.index_cast %select_n3A_138 : i32 to index
        %get3A_345 = arith.index_cast %add3A_242 : i32 to index
        %get3A_346 = arith.index_cast %add3A_343 : i32 to index
        %get3A_347 = tpu.vector_load %arg5[%get3A_344, %get3A_345, %get3A_346] {strides = array<i32>} : memref<2x16x2048xf32, #tpu.memory_space<vmem>>, vector<1x1x16xf32>,
        %get3A_348 = vector.shape_cast %get3A_347 : vector<1x1x16xf32> to vector<16xf32>
        %select_n3A_349 = arith.select %lt3A_183, %get3A_348, %broadcast_in_dim3A_21 : vector<16xi1>, vector<16xf32>
        %max3A_350 = arith.maximumf %max3A_278, %select_n3A_349 : vector<16xf32>
        %add3A_351 = arith.constant 32 : i32
        %add3A_352 = arith.addi %min3A_165, %add3A_351 : i32
        %get3A_353 = arith.index_cast %select_n3A_138 : i32 to index
        %get3A_354 = arith.index_cast %add3A_246 : i32 to index
        %get3A_355 = arith.index_cast %add3A_352 : i32 to index
        %get3A_356 = tpu.vector_load %arg5[%get3A_353, %get3A_354, %get3A_355] {strides = array<i32>} : memref<2x16x2048xf32, #tpu.memory_space<vmem>>, vector<1x1x16xf32>,
        %get3A_357 = vector.shape_cast %get3A_356 : vector<1x1x16xf32> to vector<16xf32>
        %select_n3A_358 = arith.select %lt3A_183, %get3A_357, %broadcast_in_dim3A_21 : vector<16xi1>, vector<16xf32>
        %max3A_359 = arith.maximumf %max3A_287, %select_n3A_358 : vector<16xf32>
        %add3A_360 = arith.constant 32 : i32
        %add3A_361 = arith.addi %min3A_165, %add3A_360 : i32
        %get3A_362 = arith.index_cast %select_n3A_138 : i32 to index
        %get3A_363 = arith.index_cast %add3A_250 : i32 to index
        %get3A_364 = arith.index_cast %add3A_361 : i32 to index
        %get3A_365 = tpu.vector_load %arg5[%get3A_362, %get3A_363, %get3A_364] {strides = array<i32>} : memref<2x16x2048xf32, #tpu.memory_space<vmem>>, vector<1x1x16xf32>,
        %get3A_366 = vector.shape_cast %get3A_365 : vector<1x1x16xf32> to vector<16xf32>
        %select_n3A_367 = arith.select %lt3A_183, %get3A_366, %broadcast_in_dim3A_21 : vector<16xi1>, vector<16xf32>
        %max3A_368 = arith.maximumf %max3A_296, %select_n3A_367 : vector<16xf32>
        %add3A_369 = arith.constant 48 : i32
        %add3A_370 = arith.addi %min3A_165, %add3A_369 : i32
        %get3A_371 = arith.index_cast %select_n3A_138 : i32 to index
        %get3A_372 = arith.index_cast %add3A_238 : i32 to index
        %get3A_373 = arith.index_cast %add3A_370 : i32 to index
        %get3A_374 = tpu.vector_load %arg5[%get3A_371, %get3A_372, %get3A_373] {strides = array<i32>} : memref<2x16x2048xf32, #tpu.memory_space<vmem>>, vector<1x1x16xf32>,
        %get3A_375 = vector.shape_cast %get3A_374 : vector<1x1x16xf32> to vector<16xf32>
        %select_n3A_376 = arith.select %lt3A_189, %get3A_375, %broadcast_in_dim3A_21 : vector<16xi1>, vector<16xf32>
        %max3A_377 = arith.maximumf %max3A_305, %select_n3A_376 : vector<16xf32>
        %add3A_378 = arith.constant 48 : i32
        %add3A_379 = arith.addi %min3A_165, %add3A_378 : i32
        %get3A_380 = arith.index_cast %select_n3A_138 : i32 to index
        %get3A_381 = arith.index_cast %add3A_242 : i32 to index
        %get3A_382 = arith.index_cast %add3A_379 : i32 to index
        %get3A_383 = tpu.vector_load %arg5[%get3A_380, %get3A_381, %get3A_382] {strides = array<i32>} : memref<2x16x2048xf32, #tpu.memory_space<vmem>>, vector<1x1x16xf32>,
        %get3A_384 = vector.shape_cast %get3A_383 : vector<1x1x16xf32> to vector<16xf32>
        %select_n3A_385 = arith.select %lt3A_189, %get3A_384, %broadcast_in_dim3A_21 : vector<16xi1>, vector<16xf32>
        %max3A_386 = arith.maximumf %max3A_314, %select_n3A_385 : vector<16xf32>
        %add3A_387 = arith.constant 48 : i32
        %add3A_388 = arith.addi %min3A_165, %add3A_387 : i32
        %get3A_389 = arith.index_cast %select_n3A_138 : i32 to index
        %get3A_390 = arith.index_cast %add3A_246 : i32 to index
        %get3A_391 = arith.index_cast %add3A_388 : i32 to index
        %get3A_392 = tpu.vector_load %arg5[%get3A_389, %get3A_390, %get3A_391] {strides = array<i32>} : memref<2x16x2048xf32, #tpu.memory_space<vmem>>, vector<1x1x16xf32>,
        %get3A_393 = vector.shape_cast %get3A_392 : vector<1x1x16xf32> to vector<16xf32>
        %select_n3A_394 = arith.select %lt3A_189, %get3A_393, %broadcast_in_dim3A_21 : vector<16xi1>, vector<16xf32>
        %max3A_395 = arith.maximumf %max3A_323, %select_n3A_394 : vector<16xf32>
        %add3A_396 = arith.constant 48 : i32
        %add3A_397 = arith.addi %min3A_165, %add3A_396 : i32
        %get3A_398 = arith.index_cast %select_n3A_138 : i32 to index
        %get3A_399 = arith.index_cast %add3A_250 : i32 to index
        %get3A_400 = arith.index_cast %add3A_397 : i32 to index
        %get3A_401 = tpu.vector_load %arg5[%get3A_398, %get3A_399, %get3A_400] {strides = array<i32>} : memref<2x16x2048xf32, #tpu.memory_space<vmem>>, vector<1x1x16xf32>,
        %get3A_402 = vector.shape_cast %get3A_401 : vector<1x1x16xf32> to vector<16xf32>
        %select_n3A_403 = arith.select %lt3A_189, %get3A_402, %broadcast_in_dim3A_21 : vector<16xi1>, vector<16xf32>
        %max3A_404 = arith.maximumf %max3A_332, %select_n3A_403 : vector<16xf32>
        %add3A_405 = arith.constant 64 : i32
        %add3A_406 = arith.addi %min3A_165, %add3A_405 : i32
        %get3A_407 = arith.index_cast %select_n3A_138 : i32 to index
        %get3A_408 = arith.index_cast %add3A_238 : i32 to index
        %get3A_409 = arith.index_cast %add3A_406 : i32 to index
        %get3A_410 = tpu.vector_load %arg5[%get3A_407, %get3A_408, %get3A_409] {strides = array<i32>} : memref<2x16x2048xf32, #tpu.memory_space<vmem>>, vector<1x1x16xf32>,
        %get3A_411 = vector.shape_cast %get3A_410 : vector<1x1x16xf32> to vector<16xf32>
        %select_n3A_412 = arith.select %lt3A_195, %get3A_411, %broadcast_in_dim3A_21 : vector<16xi1>, vector<16xf32>
        %max3A_413 = arith.maximumf %max3A_341, %select_n3A_412 : vector<16xf32>
        %add3A_414 = arith.constant 64 : i32
        %add3A_415 = arith.addi %min3A_165, %add3A_414 : i32
        %get3A_416 = arith.index_cast %select_n3A_138 : i32 to index
        %get3A_417 = arith.index_cast %add3A_242 : i32 to index
        %get3A_418 = arith.index_cast %add3A_415 : i32 to index
        %get3A_419 = tpu.vector_load %arg5[%get3A_416, %get3A_417, %get3A_418] {strides = array<i32>} : memref<2x16x2048xf32, #tpu.memory_space<vmem>>, vector<1x1x16xf32>,
        %get3A_420 = vector.shape_cast %get3A_419 : vector<1x1x16xf32> to vector<16xf32>
        %select_n3A_421 = arith.select %lt3A_195, %get3A_420, %broadcast_in_dim3A_21 : vector<16xi1>, vector<16xf32>
        %max3A_422 = arith.maximumf %max3A_350, %select_n3A_421 : vector<16xf32>
        %add3A_423 = arith.constant 64 : i32
        %add3A_424 = arith.addi %min3A_165, %add3A_423 : i32
        %get3A_425 = arith.index_cast %select_n3A_138 : i32 to index
        %get3A_426 = arith.index_cast %add3A_246 : i32 to index
        %get3A_427 = arith.index_cast %add3A_424 : i32 to index
        %get3A_428 = tpu.vector_load %arg5[%get3A_425, %get3A_426, %get3A_427] {strides = array<i32>} : memref<2x16x2048xf32, #tpu.memory_space<vmem>>, vector<1x1x16xf32>,
        %get3A_429 = vector.shape_cast %get3A_428 : vector<1x1x16xf32> to vector<16xf32>
        %select_n3A_430 = arith.select %lt3A_195, %get3A_429, %broadcast_in_dim3A_21 : vector<16xi1>, vector<16xf32>
        %max3A_431 = arith.maximumf %max3A_359, %select_n3A_430 : vector<16xf32>
        %add3A_432 = arith.constant 64 : i32
        %add3A_433 = arith.addi %min3A_165, %add3A_432 : i32
        %get3A_434 = arith.index_cast %select_n3A_138 : i32 to index
        %get3A_435 = arith.index_cast %add3A_250 : i32 to index
        %get3A_436 = arith.index_cast %add3A_433 : i32 to index
        %get3A_437 = tpu.vector_load %arg5[%get3A_434, %get3A_435, %get3A_436] {strides = array<i32>} : memref<2x16x2048xf32, #tpu.memory_space<vmem>>, vector<1x1x16xf32>,
        %get3A_438 = vector.shape_cast %get3A_437 : vector<1x1x16xf32> to vector<16xf32>
        %select_n3A_439 = arith.select %lt3A_195, %get3A_438, %broadcast_in_dim3A_21 : vector<16xi1>, vector<16xf32>
        %max3A_440 = arith.maximumf %max3A_368, %select_n3A_439 : vector<16xf32>
        %add3A_441 = arith.constant 80 : i32
        %add3A_442 = arith.addi %min3A_165, %add3A_441 : i32
        %get3A_443 = arith.index_cast %select_n3A_138 : i32 to index
        %get3A_444 = arith.index_cast %add3A_238 : i32 to index
        %get3A_445 = arith.index_cast %add3A_442 : i32 to index
        %get3A_446 = tpu.vector_load %arg5[%get3A_443, %get3A_444, %get3A_445] {strides = array<i32>} : memref<2x16x2048xf32, #tpu.memory_space<vmem>>, vector<1x1x16xf32>,
        %get3A_447 = vector.shape_cast %get3A_446 : vector<1x1x16xf32> to vector<16xf32>
        %select_n3A_448 = arith.select %lt3A_201, %get3A_447, %broadcast_in_dim3A_21 : vector<16xi1>, vector<16xf32>
        %max3A_449 = arith.maximumf %max3A_377, %select_n3A_448 : vector<16xf32>
        %add3A_450 = arith.constant 80 : i32
        %add3A_451 = arith.addi %min3A_165, %add3A_450 : i32
        %get3A_452 = arith.index_cast %select_n3A_138 : i32 to index
        %get3A_453 = arith.index_cast %add3A_242 : i32 to index
        %get3A_454 = arith.index_cast %add3A_451 : i32 to index
        %get3A_455 = tpu.vector_load %arg5[%get3A_452, %get3A_453, %get3A_454] {strides = array<i32>} : memref<2x16x2048xf32, #tpu.memory_space<vmem>>, vector<1x1x16xf32>,
        %get3A_456 = vector.shape_cast %get3A_455 : vector<1x1x16xf32> to vector<16xf32>
        %select_n3A_457 = arith.select %lt3A_201, %get3A_456, %broadcast_in_dim3A_21 : vector<16xi1>, vector<16xf32>
        %max3A_458 = arith.maximumf %max3A_386, %select_n3A_457 : vector<16xf32>
        %add3A_459 = arith.constant 80 : i32
        %add3A_460 = arith.addi %min3A_165, %add3A_459 : i32
        %get3A_461 = arith.index_cast %select_n3A_138 : i32 to index
        %get3A_462 = arith.index_cast %add3A_246 : i32 to index
        %get3A_463 = arith.index_cast %add3A_460 : i32 to index
        %get3A_464 = tpu.vector_load %arg5[%get3A_461, %get3A_462, %get3A_463] {strides = array<i32>} : memref<2x16x2048xf32, #tpu.memory_space<vmem>>, vector<1x1x16xf32>,
        %get3A_465 = vector.shape_cast %get3A_464 : vector<1x1x16xf32> to vector<16xf32>
        %select_n3A_466 = arith.select %lt3A_201, %get3A_465, %broadcast_in_dim3A_21 : vector<16xi1>, vector<16xf32>
        %max3A_467 = arith.maximumf %max3A_395, %select_n3A_466 : vector<16xf32>
        %add3A_468 = arith.constant 80 : i32
        %add3A_469 = arith.addi %min3A_165, %add3A_468 : i32
        %get3A_470 = arith.index_cast %select_n3A_138 : i32 to index
        %get3A_471 = arith.index_cast %add3A_250 : i32 to index
        %get3A_472 = arith.index_cast %add3A_469 : i32 to index
        %get3A_473 = tpu.vector_load %arg5[%get3A_470, %get3A_471, %get3A_472] {strides = array<i32>} : memref<2x16x2048xf32, #tpu.memory_space<vmem>>, vector<1x1x16xf32>,
        %get3A_474 = vector.shape_cast %get3A_473 : vector<1x1x16xf32> to vector<16xf32>
        %select_n3A_475 = arith.select %lt3A_201, %get3A_474, %broadcast_in_dim3A_21 : vector<16xi1>, vector<16xf32>
        %max3A_476 = arith.maximumf %max3A_404, %select_n3A_475 : vector<16xf32>
        %add3A_477 = arith.constant 96 : i32
        %add3A_478 = arith.addi %min3A_165, %add3A_477 : i32
        %get3A_479 = arith.index_cast %select_n3A_138 : i32 to index
        %get3A_480 = arith.index_cast %add3A_238 : i32 to index
        %get3A_481 = arith.index_cast %add3A_478 : i32 to index
        %get3A_482 = tpu.vector_load %arg5[%get3A_479, %get3A_480, %get3A_481] {strides = array<i32>} : memref<2x16x2048xf32, #tpu.memory_space<vmem>>, vector<1x1x16xf32>,
        %get3A_483 = vector.shape_cast %get3A_482 : vector<1x1x16xf32> to vector<16xf32>
        %select_n3A_484 = arith.select %lt3A_207, %get3A_483, %broadcast_in_dim3A_21 : vector<16xi1>, vector<16xf32>
        %max3A_485 = arith.maximumf %max3A_413, %select_n3A_484 : vector<16xf32>
        %add3A_486 = arith.constant 96 : i32
        %add3A_487 = arith.addi %min3A_165, %add3A_486 : i32
        %get3A_488 = arith.index_cast %select_n3A_138 : i32 to index
        %get3A_489 = arith.index_cast %add3A_242 : i32 to index
        %get3A_490 = arith.index_cast %add3A_487 : i32 to index
        %get3A_491 = tpu.vector_load %arg5[%get3A_488, %get3A_489, %get3A_490] {strides = array<i32>} : memref<2x16x2048xf32, #tpu.memory_space<vmem>>, vector<1x1x16xf32>,
        %get3A_492 = vector.shape_cast %get3A_491 : vector<1x1x16xf32> to vector<16xf32>
        %select_n3A_493 = arith.select %lt3A_207, %get3A_492, %broadcast_in_dim3A_21 : vector<16xi1>, vector<16xf32>
        %max3A_494 = arith.maximumf %max3A_422, %select_n3A_493 : vector<16xf32>
        %add3A_495 = arith.constant 96 : i32
        %add3A_496 = arith.addi %min3A_165, %add3A_495 : i32
        %get3A_497 = arith.index_cast %select_n3A_138 : i32 to index
        %get3A_498 = arith.index_cast %add3A_246 : i32 to index
        %get3A_499 = arith.index_cast %add3A_496 : i32 to index
        %get3A_500 = tpu.vector_load %arg5[%get3A_497, %get3A_498, %get3A_499] {strides = array<i32>} : memref<2x16x2048xf32, #tpu.memory_space<vmem>>, vector<1x1x16xf32>,
        %get3A_501 = vector.shape_cast %get3A_500 : vector<1x1x16xf32> to vector<16xf32>
        %select_n3A_502 = arith.select %lt3A_207, %get3A_501, %broadcast_in_dim3A_21 : vector<16xi1>, vector<16xf32>
        %max3A_503 = arith.maximumf %max3A_431, %select_n3A_502 : vector<16xf32>
        %add3A_504 = arith.constant 96 : i32
        %add3A_505 = arith.addi %min3A_165, %add3A_504 : i32
        %get3A_506 = arith.index_cast %select_n3A_138 : i32 to index
        %get3A_507 = arith.index_cast %add3A_250 : i32 to index
        %get3A_508 = arith.index_cast %add3A_505 : i32 to index
        %get3A_509 = tpu.vector_load %arg5[%get3A_506, %get3A_507, %get3A_508] {strides = array<i32>} : memref<2x16x2048xf32, #tpu.memory_space<vmem>>, vector<1x1x16xf32>,
        %get3A_510 = vector.shape_cast %get3A_509 : vector<1x1x16xf32> to vector<16xf32>
        %select_n3A_511 = arith.select %lt3A_207, %get3A_510, %broadcast_in_dim3A_21 : vector<16xi1>, vector<16xf32>
        %max3A_512 = arith.maximumf %max3A_440, %select_n3A_511 : vector<16xf32>
        %add3A_513 = arith.constant 112 : i32
        %add3A_514 = arith.addi %min3A_165, %add3A_513 : i32
        %get3A_515 = arith.index_cast %select_n3A_138 : i32 to index
        %get3A_516 = arith.index_cast %add3A_238 : i32 to index
        %get3A_517 = arith.index_cast %add3A_514 : i32 to index
        %get3A_518 = tpu.vector_load %arg5[%get3A_515, %get3A_516, %get3A_517] {strides = array<i32>} : memref<2x16x2048xf32, #tpu.memory_space<vmem>>, vector<1x1x16xf32>,
        %get3A_519 = vector.shape_cast %get3A_518 : vector<1x1x16xf32> to vector<16xf32>
        %select_n3A_520 = arith.select %lt3A_213, %get3A_519, %broadcast_in_dim3A_21 : vector<16xi1>, vector<16xf32>
        %max3A_521 = arith.maximumf %max3A_449, %select_n3A_520 : vector<16xf32>
        %add3A_522 = arith.constant 112 : i32
        %add3A_523 = arith.addi %min3A_165, %add3A_522 : i32
        %get3A_524 = arith.index_cast %select_n3A_138 : i32 to index
        %get3A_525 = arith.index_cast %add3A_242 : i32 to index
        %get3A_526 = arith.index_cast %add3A_523 : i32 to index
        %get3A_527 = tpu.vector_load %arg5[%get3A_524, %get3A_525, %get3A_526] {strides = array<i32>} : memref<2x16x2048xf32, #tpu.memory_space<vmem>>, vector<1x1x16xf32>,
        %get3A_528 = vector.shape_cast %get3A_527 : vector<1x1x16xf32> to vector<16xf32>
        %select_n3A_529 = arith.select %lt3A_213, %get3A_528, %broadcast_in_dim3A_21 : vector<16xi1>, vector<16xf32>
        %max3A_530 = arith.maximumf %max3A_458, %select_n3A_529 : vector<16xf32>
        %add3A_531 = arith.constant 112 : i32
        %add3A_532 = arith.addi %min3A_165, %add3A_531 : i32
        %get3A_533 = arith.index_cast %select_n3A_138 : i32 to index
        %get3A_534 = arith.index_cast %add3A_246 : i32 to index
        %get3A_535 = arith.index_cast %add3A_532 : i32 to index
        %get3A_536 = tpu.vector_load %arg5[%get3A_533, %get3A_534, %get3A_535] {strides = array<i32>} : memref<2x16x2048xf32, #tpu.memory_space<vmem>>, vector<1x1x16xf32>,
        %get3A_537 = vector.shape_cast %get3A_536 : vector<1x1x16xf32> to vector<16xf32>
        %select_n3A_538 = arith.select %lt3A_213, %get3A_537, %broadcast_in_dim3A_21 : vector<16xi1>, vector<16xf32>
        %max3A_539 = arith.maximumf %max3A_467, %select_n3A_538 : vector<16xf32>
        %add3A_540 = arith.constant 112 : i32
        %add3A_541 = arith.addi %min3A_165, %add3A_540 : i32
        %get3A_542 = arith.index_cast %select_n3A_138 : i32 to index
        %get3A_543 = arith.index_cast %add3A_250 : i32 to index
        %get3A_544 = arith.index_cast %add3A_541 : i32 to index
        %get3A_545 = tpu.vector_load %arg5[%get3A_542, %get3A_543, %get3A_544] {strides = array<i32>} : memref<2x16x2048xf32, #tpu.memory_space<vmem>>, vector<1x1x16xf32>,
        %get3A_546 = vector.shape_cast %get3A_545 : vector<1x1x16xf32> to vector<16xf32>
        %select_n3A_547 = arith.select %lt3A_213, %get3A_546, %broadcast_in_dim3A_21 : vector<16xi1>, vector<16xf32>
        %max3A_548 = arith.maximumf %max3A_476, %select_n3A_547 : vector<16xf32>
        %max3A_549 = arith.maximumf %max3A_485, %max3A_521 : vector<16xf32>
        %max3A_550 = arith.maximumf %max3A_494, %max3A_530 : vector<16xf32>
        %max3A_551 = arith.maximumf %max3A_503, %max3A_539 : vector<16xf32>
        %max3A_552 = arith.maximumf %max3A_512, %max3A_548 : vector<16xf32>
        %xor3A = arith.constant 8 : i32
        %xor3A_553 = vector.broadcast %xor3A : i32 to vector<16xi32>
        %xor3A_554 = arith.xori %iota3A, %xor3A_553 : vector<16xi32>
        %lt3A_555 = arith.constant 0 : i32
        %lt3A_556 = vector.broadcast %lt3A_555 : i32 to vector<16xi32>
        %lt3A_557 = arith.cmpi slt, %xor3A_554, %lt3A_556 : vector<16xi32>
        %add3A_558 = arith.constant 16 : i32
        %add3A_559 = vector.broadcast %add3A_558 : i32 to vector<16xi32>
        %add3A_560 = arith.addi %xor3A_554, %add3A_559 : vector<16xi32>
        %select_n3A_561 = arith.select %lt3A_557, %add3A_560, %xor3A_554 : vector<16xi1>, vector<16xi32>
        %reshape3A = vector.shape_cast %select_n3A_561 : vector<16xi32> to vector<16x1xi32>
        %gather3A = vector.shape_cast %reshape3A : vector<16x1xi32> to vector<16xi32>
        %gather3A_562 = tpu.dynamic_gather %max3A_549[%gather3A] in [0] : vector<16xf32>, vector<16xi32> -> vector<16xf32>
        %max3A_563 = arith.maximumf %max3A_549, %gather3A_562 : vector<16xf32>
        %xor3A_564 = arith.constant 8 : i32
        %xor3A_565 = vector.broadcast %xor3A_564 : i32 to vector<16xi32>
        %xor3A_566 = arith.xori %iota3A, %xor3A_565 : vector<16xi32>
        %lt3A_567 = arith.constant 0 : i32
        %lt3A_568 = vector.broadcast %lt3A_567 : i32 to vector<16xi32>
        %lt3A_569 = arith.cmpi slt, %xor3A_566, %lt3A_568 : vector<16xi32>
        %add3A_570 = arith.constant 16 : i32
        %add3A_571 = vector.broadcast %add3A_570 : i32 to vector<16xi32>
        %add3A_572 = arith.addi %xor3A_566, %add3A_571 : vector<16xi32>
        %select_n3A_573 = arith.select %lt3A_569, %add3A_572, %xor3A_566 : vector<16xi1>, vector<16xi32>
        %reshape3A_574 = vector.shape_cast %select_n3A_573 : vector<16xi32> to vector<16x1xi32>
        %gather3A_575 = vector.shape_cast %reshape3A_574 : vector<16x1xi32> to vector<16xi32>
        %gather3A_576 = tpu.dynamic_gather %max3A_550[%gather3A_575] in [0] : vector<16xf32>, vector<16xi32> -> vector<16xf32>
        %max3A_577 = arith.maximumf %max3A_550, %gather3A_576 : vector<16xf32>
        %xor3A_578 = arith.constant 8 : i32
        %xor3A_579 = vector.broadcast %xor3A_578 : i32 to vector<16xi32>
        %xor3A_580 = arith.xori %iota3A, %xor3A_579 : vector<16xi32>
        %lt3A_581 = arith.constant 0 : i32
        %lt3A_582 = vector.broadcast %lt3A_581 : i32 to vector<16xi32>
        %lt3A_583 = arith.cmpi slt, %xor3A_580, %lt3A_582 : vector<16xi32>
        %add3A_584 = arith.constant 16 : i32
        %add3A_585 = vector.broadcast %add3A_584 : i32 to vector<16xi32>
        %add3A_586 = arith.addi %xor3A_580, %add3A_585 : vector<16xi32>
        %select_n3A_587 = arith.select %lt3A_583, %add3A_586, %xor3A_580 : vector<16xi1>, vector<16xi32>
        %reshape3A_588 = vector.shape_cast %select_n3A_587 : vector<16xi32> to vector<16x1xi32>
        %gather3A_589 = vector.shape_cast %reshape3A_588 : vector<16x1xi32> to vector<16xi32>
        %gather3A_590 = tpu.dynamic_gather %max3A_551[%gather3A_589] in [0] : vector<16xf32>, vector<16xi32> -> vector<16xf32>
        %max3A_591 = arith.maximumf %max3A_551, %gather3A_590 : vector<16xf32>
        %xor3A_592 = arith.constant 8 : i32
        %xor3A_593 = vector.broadcast %xor3A_592 : i32 to vector<16xi32>
        %xor3A_594 = arith.xori %iota3A, %xor3A_593 : vector<16xi32>
        %lt3A_595 = arith.constant 0 : i32
        %lt3A_596 = vector.broadcast %lt3A_595 : i32 to vector<16xi32>
        %lt3A_597 = arith.cmpi slt, %xor3A_594, %lt3A_596 : vector<16xi32>
        %add3A_598 = arith.constant 16 : i32
        %add3A_599 = vector.broadcast %add3A_598 : i32 to vector<16xi32>
        %add3A_600 = arith.addi %xor3A_594, %add3A_599 : vector<16xi32>
        %select_n3A_601 = arith.select %lt3A_597, %add3A_600, %xor3A_594 : vector<16xi1>, vector<16xi32>
        %reshape3A_602 = vector.shape_cast %select_n3A_601 : vector<16xi32> to vector<16x1xi32>
        %gather3A_603 = vector.shape_cast %reshape3A_602 : vector<16x1xi32> to vector<16xi32>
        %gather3A_604 = tpu.dynamic_gather %max3A_552[%gather3A_603] in [0] : vector<16xf32>, vector<16xi32> -> vector<16xf32>
        %max3A_605 = arith.maximumf %max3A_552, %gather3A_604 : vector<16xf32>
        %xor3A_606 = arith.constant 4 : i32
        %xor3A_607 = vector.broadcast %xor3A_606 : i32 to vector<16xi32>
        %xor3A_608 = arith.xori %iota3A, %xor3A_607 : vector<16xi32>
        %lt3A_609 = arith.constant 0 : i32
        %lt3A_610 = vector.broadcast %lt3A_609 : i32 to vector<16xi32>
        %lt3A_611 = arith.cmpi slt, %xor3A_608, %lt3A_610 : vector<16xi32>
        %add3A_612 = arith.constant 16 : i32
        %add3A_613 = vector.broadcast %add3A_612 : i32 to vector<16xi32>
        %add3A_614 = arith.addi %xor3A_608, %add3A_613 : vector<16xi32>
        %select_n3A_615 = arith.select %lt3A_611, %add3A_614, %xor3A_608 : vector<16xi1>, vector<16xi32>
        %reshape3A_616 = vector.shape_cast %select_n3A_615 : vector<16xi32> to vector<16x1xi32>
        %gather3A_617 = vector.shape_cast %reshape3A_616 : vector<16x1xi32> to vector<16xi32>
        %gather3A_618 = tpu.dynamic_gather %max3A_563[%gather3A_617] in [0] : vector<16xf32>, vector<16xi32> -> vector<16xf32>
        %max3A_619 = arith.maximumf %max3A_563, %gather3A_618 : vector<16xf32>
        %xor3A_620 = arith.constant 4 : i32
        %xor3A_621 = vector.broadcast %xor3A_620 : i32 to vector<16xi32>
        %xor3A_622 = arith.xori %iota3A, %xor3A_621 : vector<16xi32>
        %lt3A_623 = arith.constant 0 : i32
        %lt3A_624 = vector.broadcast %lt3A_623 : i32 to vector<16xi32>
        %lt3A_625 = arith.cmpi slt, %xor3A_622, %lt3A_624 : vector<16xi32>
        %add3A_626 = arith.constant 16 : i32
        %add3A_627 = vector.broadcast %add3A_626 : i32 to vector<16xi32>
        %add3A_628 = arith.addi %xor3A_622, %add3A_627 : vector<16xi32>
        %select_n3A_629 = arith.select %lt3A_625, %add3A_628, %xor3A_622 : vector<16xi1>, vector<16xi32>
        %reshape3A_630 = vector.shape_cast %select_n3A_629 : vector<16xi32> to vector<16x1xi32>
        %gather3A_631 = vector.shape_cast %reshape3A_630 : vector<16x1xi32> to vector<16xi32>
        %gather3A_632 = tpu.dynamic_gather %max3A_577[%gather3A_631] in [0] : vector<16xf32>, vector<16xi32> -> vector<16xf32>
        %max3A_633 = arith.maximumf %max3A_577, %gather3A_632 : vector<16xf32>
        %xor3A_634 = arith.constant 4 : i32
        %xor3A_635 = vector.broadcast %xor3A_634 : i32 to vector<16xi32>
        %xor3A_636 = arith.xori %iota3A, %xor3A_635 : vector<16xi32>
        %lt3A_637 = arith.constant 0 : i32
        %lt3A_638 = vector.broadcast %lt3A_637 : i32 to vector<16xi32>
        %lt3A_639 = arith.cmpi slt, %xor3A_636, %lt3A_638 : vector<16xi32>
        %add3A_640 = arith.constant 16 : i32
        %add3A_641 = vector.broadcast %add3A_640 : i32 to vector<16xi32>
        %add3A_642 = arith.addi %xor3A_636, %add3A_641 : vector<16xi32>
        %select_n3A_643 = arith.select %lt3A_639, %add3A_642, %xor3A_636 : vector<16xi1>, vector<16xi32>
        %reshape3A_644 = vector.shape_cast %select_n3A_643 : vector<16xi32> to vector<16x1xi32>
        %gather3A_645 = vector.shape_cast %reshape3A_644 : vector<16x1xi32> to vector<16xi32>
        %gather3A_646 = tpu.dynamic_gather %max3A_591[%gather3A_645] in [0] : vector<16xf32>, vector<16xi32> -> vector<16xf32>
        %max3A_647 = arith.maximumf %max3A_591, %gather3A_646 : vector<16xf32>
        %xor3A_648 = arith.constant 4 : i32
        %xor3A_649 = vector.broadcast %xor3A_648 : i32 to vector<16xi32>
        %xor3A_650 = arith.xori %iota3A, %xor3A_649 : vector<16xi32>
        %lt3A_651 = arith.constant 0 : i32
        %lt3A_652 = vector.broadcast %lt3A_651 : i32 to vector<16xi32>
        %lt3A_653 = arith.cmpi slt, %xor3A_650, %lt3A_652 : vector<16xi32>
        %add3A_654 = arith.constant 16 : i32
        %add3A_655 = vector.broadcast %add3A_654 : i32 to vector<16xi32>
        %add3A_656 = arith.addi %xor3A_650, %add3A_655 : vector<16xi32>
        %select_n3A_657 = arith.select %lt3A_653, %add3A_656, %xor3A_650 : vector<16xi1>, vector<16xi32>
        %reshape3A_658 = vector.shape_cast %select_n3A_657 : vector<16xi32> to vector<16x1xi32>
        %gather3A_659 = vector.shape_cast %reshape3A_658 : vector<16x1xi32> to vector<16xi32>
        %gather3A_660 = tpu.dynamic_gather %max3A_605[%gather3A_659] in [0] : vector<16xf32>, vector<16xi32> -> vector<16xf32>
        %max3A_661 = arith.maximumf %max3A_605, %gather3A_660 : vector<16xf32>
        %xor3A_662 = arith.constant 2 : i32
        %xor3A_663 = vector.broadcast %xor3A_662 : i32 to vector<16xi32>
        %xor3A_664 = arith.xori %iota3A, %xor3A_663 : vector<16xi32>
        %lt3A_665 = arith.constant 0 : i32
        %lt3A_666 = vector.broadcast %lt3A_665 : i32 to vector<16xi32>
        %lt3A_667 = arith.cmpi slt, %xor3A_664, %lt3A_666 : vector<16xi32>
        %add3A_668 = arith.constant 16 : i32
        %add3A_669 = vector.broadcast %add3A_668 : i32 to vector<16xi32>
        %add3A_670 = arith.addi %xor3A_664, %add3A_669 : vector<16xi32>
        %select_n3A_671 = arith.select %lt3A_667, %add3A_670, %xor3A_664 : vector<16xi1>, vector<16xi32>
        %reshape3A_672 = vector.shape_cast %select_n3A_671 : vector<16xi32> to vector<16x1xi32>
        %gather3A_673 = vector.shape_cast %reshape3A_672 : vector<16x1xi32> to vector<16xi32>
        %gather3A_674 = tpu.dynamic_gather %max3A_619[%gather3A_673] in [0] : vector<16xf32>, vector<16xi32> -> vector<16xf32>
        %max3A_675 = arith.maximumf %max3A_619, %gather3A_674 : vector<16xf32>
        %xor3A_676 = arith.constant 2 : i32
        %xor3A_677 = vector.broadcast %xor3A_676 : i32 to vector<16xi32>
        %xor3A_678 = arith.xori %iota3A, %xor3A_677 : vector<16xi32>
        %lt3A_679 = arith.constant 0 : i32
        %lt3A_680 = vector.broadcast %lt3A_679 : i32 to vector<16xi32>
        %lt3A_681 = arith.cmpi slt, %xor3A_678, %lt3A_680 : vector<16xi32>
        %add3A_682 = arith.constant 16 : i32
        %add3A_683 = vector.broadcast %add3A_682 : i32 to vector<16xi32>
        %add3A_684 = arith.addi %xor3A_678, %add3A_683 : vector<16xi32>
        %select_n3A_685 = arith.select %lt3A_681, %add3A_684, %xor3A_678 : vector<16xi1>, vector<16xi32>
        %reshape3A_686 = vector.shape_cast %select_n3A_685 : vector<16xi32> to vector<16x1xi32>
        %gather3A_687 = vector.shape_cast %reshape3A_686 : vector<16x1xi32> to vector<16xi32>
        %gather3A_688 = tpu.dynamic_gather %max3A_633[%gather3A_687] in [0] : vector<16xf32>, vector<16xi32> -> vector<16xf32>
        %max3A_689 = arith.maximumf %max3A_633, %gather3A_688 : vector<16xf32>
        %xor3A_690 = arith.constant 2 : i32
        %xor3A_691 = vector.broadcast %xor3A_690 : i32 to vector<16xi32>
        %xor3A_692 = arith.xori %iota3A, %xor3A_691 : vector<16xi32>
        %lt3A_693 = arith.constant 0 : i32
        %lt3A_694 = vector.broadcast %lt3A_693 : i32 to vector<16xi32>
        %lt3A_695 = arith.cmpi slt, %xor3A_692, %lt3A_694 : vector<16xi32>
        %add3A_696 = arith.constant 16 : i32
        %add3A_697 = vector.broadcast %add3A_696 : i32 to vector<16xi32>
        %add3A_698 = arith.addi %xor3A_692, %add3A_697 : vector<16xi32>
        %select_n3A_699 = arith.select %lt3A_695, %add3A_698, %xor3A_692 : vector<16xi1>, vector<16xi32>
        %reshape3A_700 = vector.shape_cast %select_n3A_699 : vector<16xi32> to vector<16x1xi32>
        %gather3A_701 = vector.shape_cast %reshape3A_700 : vector<16x1xi32> to vector<16xi32>
        %gather3A_702 = tpu.dynamic_gather %max3A_647[%gather3A_701] in [0] : vector<16xf32>, vector<16xi32> -> vector<16xf32>
        %max3A_703 = arith.maximumf %max3A_647, %gather3A_702 : vector<16xf32>
        %xor3A_704 = arith.constant 2 : i32
        %xor3A_705 = vector.broadcast %xor3A_704 : i32 to vector<16xi32>
        %xor3A_706 = arith.xori %iota3A, %xor3A_705 : vector<16xi32>
        %lt3A_707 = arith.constant 0 : i32
        %lt3A_708 = vector.broadcast %lt3A_707 : i32 to vector<16xi32>
        %lt3A_709 = arith.cmpi slt, %xor3A_706, %lt3A_708 : vector<16xi32>
        %add3A_710 = arith.constant 16 : i32
        %add3A_711 = vector.broadcast %add3A_710 : i32 to vector<16xi32>
        %add3A_712 = arith.addi %xor3A_706, %add3A_711 : vector<16xi32>
        %select_n3A_713 = arith.select %lt3A_709, %add3A_712, %xor3A_706 : vector<16xi1>, vector<16xi32>
        %reshape3A_714 = vector.shape_cast %select_n3A_713 : vector<16xi32> to vector<16x1xi32>
        %gather3A_715 = vector.shape_cast %reshape3A_714 : vector<16x1xi32> to vector<16xi32>
        %gather3A_716 = tpu.dynamic_gather %max3A_661[%gather3A_715] in [0] : vector<16xf32>, vector<16xi32> -> vector<16xf32>
        %max3A_717 = arith.maximumf %max3A_661, %gather3A_716 : vector<16xf32>
        %xor3A_718 = arith.constant 1 : i32
        %xor3A_719 = vector.broadcast %xor3A_718 : i32 to vector<16xi32>
        %xor3A_720 = arith.xori %iota3A, %xor3A_719 : vector<16xi32>
        %lt3A_721 = arith.constant 0 : i32
        %lt3A_722 = vector.broadcast %lt3A_721 : i32 to vector<16xi32>
        %lt3A_723 = arith.cmpi slt, %xor3A_720, %lt3A_722 : vector<16xi32>
        %add3A_724 = arith.constant 16 : i32
        %add3A_725 = vector.broadcast %add3A_724 : i32 to vector<16xi32>
        %add3A_726 = arith.addi %xor3A_720, %add3A_725 : vector<16xi32>
        %select_n3A_727 = arith.select %lt3A_723, %add3A_726, %xor3A_720 : vector<16xi1>, vector<16xi32>
        %reshape3A_728 = vector.shape_cast %select_n3A_727 : vector<16xi32> to vector<16x1xi32>
        %gather3A_729 = vector.shape_cast %reshape3A_728 : vector<16x1xi32> to vector<16xi32>
        %gather3A_730 = tpu.dynamic_gather %max3A_675[%gather3A_729] in [0] : vector<16xf32>, vector<16xi32> -> vector<16xf32>
        %max3A_731 = arith.maximumf %max3A_675, %gather3A_730 : vector<16xf32>
        %xor3A_732 = arith.constant 1 : i32
        %xor3A_733 = vector.broadcast %xor3A_732 : i32 to vector<16xi32>
        %xor3A_734 = arith.xori %iota3A, %xor3A_733 : vector<16xi32>
        %lt3A_735 = arith.constant 0 : i32
        %lt3A_736 = vector.broadcast %lt3A_735 : i32 to vector<16xi32>
        %lt3A_737 = arith.cmpi slt, %xor3A_734, %lt3A_736 : vector<16xi32>
        %add3A_738 = arith.constant 16 : i32
        %add3A_739 = vector.broadcast %add3A_738 : i32 to vector<16xi32>
        %add3A_740 = arith.addi %xor3A_734, %add3A_739 : vector<16xi32>
        %select_n3A_741 = arith.select %lt3A_737, %add3A_740, %xor3A_734 : vector<16xi1>, vector<16xi32>
        %reshape3A_742 = vector.shape_cast %select_n3A_741 : vector<16xi32> to vector<16x1xi32>
        %gather3A_743 = vector.shape_cast %reshape3A_742 : vector<16x1xi32> to vector<16xi32>
        %gather3A_744 = tpu.dynamic_gather %max3A_689[%gather3A_743] in [0] : vector<16xf32>, vector<16xi32> -> vector<16xf32>
        %max3A_745 = arith.maximumf %max3A_689, %gather3A_744 : vector<16xf32>
        %xor3A_746 = arith.constant 1 : i32
        %xor3A_747 = vector.broadcast %xor3A_746 : i32 to vector<16xi32>
        %xor3A_748 = arith.xori %iota3A, %xor3A_747 : vector<16xi32>
        %lt3A_749 = arith.constant 0 : i32
        %lt3A_750 = vector.broadcast %lt3A_749 : i32 to vector<16xi32>
        %lt3A_751 = arith.cmpi slt, %xor3A_748, %lt3A_750 : vector<16xi32>
        %add3A_752 = arith.constant 16 : i32
        %add3A_753 = vector.broadcast %add3A_752 : i32 to vector<16xi32>
        %add3A_754 = arith.addi %xor3A_748, %add3A_753 : vector<16xi32>
        %select_n3A_755 = arith.select %lt3A_751, %add3A_754, %xor3A_748 : vector<16xi1>, vector<16xi32>
        %reshape3A_756 = vector.shape_cast %select_n3A_755 : vector<16xi32> to vector<16x1xi32>
        %gather3A_757 = vector.shape_cast %reshape3A_756 : vector<16x1xi32> to vector<16xi32>
        %gather3A_758 = tpu.dynamic_gather %max3A_703[%gather3A_757] in [0] : vector<16xf32>, vector<16xi32> -> vector<16xf32>
        %max3A_759 = arith.maximumf %max3A_703, %gather3A_758 : vector<16xf32>
        %xor3A_760 = arith.constant 1 : i32
        %xor3A_761 = vector.broadcast %xor3A_760 : i32 to vector<16xi32>
        %xor3A_762 = arith.xori %iota3A, %xor3A_761 : vector<16xi32>
        %lt3A_763 = arith.constant 0 : i32
        %lt3A_764 = vector.broadcast %lt3A_763 : i32 to vector<16xi32>
        %lt3A_765 = arith.cmpi slt, %xor3A_762, %lt3A_764 : vector<16xi32>
        %add3A_766 = arith.constant 16 : i32
        %add3A_767 = vector.broadcast %add3A_766 : i32 to vector<16xi32>
        %add3A_768 = arith.addi %xor3A_762, %add3A_767 : vector<16xi32>
        %select_n3A_769 = arith.select %lt3A_765, %add3A_768, %xor3A_762 : vector<16xi1>, vector<16xi32>
        %reshape3A_770 = vector.shape_cast %select_n3A_769 : vector<16xi32> to vector<16x1xi32>
        %gather3A_771 = vector.shape_cast %reshape3A_770 : vector<16x1xi32> to vector<16xi32>
        %gather3A_772 = tpu.dynamic_gather %max3A_717[%gather3A_771] in [0] : vector<16xf32>, vector<16xi32> -> vector<16xf32>
        %max3A_773 = arith.maximumf %max3A_717, %gather3A_772 : vector<16xf32>
        %eq3A_774 = vector.broadcast %add3A_238 : i32 to vector<16xi32>
        %eq3A_775 = arith.cmpi eq, %iota3A, %eq3A_774 : vector<16xi32>
        %select_n3A_776 = arith.select %eq3A_775, %max3A_731, %scan3A_234 : vector<16xi1>, vector<16xf32>
        %eq3A_777 = vector.broadcast %add3A_242 : i32 to vector<16xi32>
        %eq3A_778 = arith.cmpi eq, %iota3A, %eq3A_777 : vector<16xi32>
        %select_n3A_779 = arith.select %eq3A_778, %max3A_745, %select_n3A_776 : vector<16xi1>, vector<16xf32>
        %eq3A_780 = vector.broadcast %add3A_246 : i32 to vector<16xi32>
        %eq3A_781 = arith.cmpi eq, %iota3A, %eq3A_780 : vector<16xi32>
        %select_n3A_782 = arith.select %eq3A_781, %max3A_759, %select_n3A_779 : vector<16xi1>, vector<16xf32>
        %eq3A_783 = vector.broadcast %add3A_250 : i32 to vector<16xi32>
        %eq3A_784 = arith.cmpi eq, %iota3A, %eq3A_783 : vector<16xi32>
        %select_n3A_785 = arith.select %eq3A_784, %max3A_773, %select_n3A_782 : vector<16xi1>, vector<16xf32>
        scf.yield %select_n3A_785 : vector<16xf32>
      }
      %scan3A_219 = arith.constant 4 : i32
      %mul3A_220 = arith.constant 16 : i32
      %mul3A_221 = arith.muli %scan3A_62, %mul3A_220 : i32
      %swap3A = arith.index_cast %mul3A_221 : i32 to index
      %swap3A_222 = tpu.vector_load %arg6[%swap3A] {strides = array<i32>} : memref<128xf32, #tpu.memory_space<vmem>>, vector<16xf32>,
      %swap3A_223 = vector.shape_cast %swap3A_222 : vector<16xf32> to vector<16xf32>
      %swap3A_224 = vector.shape_cast %scan3A_218 : vector<16xf32> to vector<16xf32>
      tpu.vector_store %arg6[%swap3A], %swap3A_224 {strides = array<i32>} : memref<128xf32, #tpu.memory_space<vmem>>, vector<16xf32>,
      %mul3A_225 = arith.constant 16 : i32
      %mul3A_226 = arith.muli %scan3A_62, %mul3A_225 : i32
      %dma_start3A_227 = tpu.memref_slice %arg6[%mul3A_226] : memref<128xf32, #tpu.memory_space<vmem>> -> memref<16xf32, #tpu.memory_space<vmem>>
      %dma_start3A_228 = tpu.memref_slice %arg4[%scan3A_62, %mul3A_2] : memref<8x512xf32, #tpu.memory_space<hbm>> -> memref<1x16xf32, #tpu.memory_space<hbm>>
      %dma_start3A_229 = tpu.memref_squeeze %dma_start3A_228 : memref<1x16xf32, #tpu.memory_space<hbm>> -> memref<16xf32, #tpu.memory_space<hbm>>
      %dma_start3A_230 = tpu.memref_slice %arg4[%scan3A_62, %mul3A_2] : memref<8x512xf32, #tpu.memory_space<hbm>> -> memref<1x16xf32, #tpu.memory_space<hbm>>
      %dma_start3A_231 = tpu.memref_squeeze %dma_start3A_230 : memref<1x16xf32, #tpu.memory_space<hbm>> -> memref<16xf32, #tpu.memory_space<hbm>>
      %dma_start3A_232 = tpu.memref_slice %arg6[%mul3A_226] : memref<128xf32, #tpu.memory_space<vmem>> -> memref<16xf32, #tpu.memory_space<vmem>>
      tpu.enqueue_dma source(%dma_start3A_232 : memref<16xf32, #tpu.memory_space<vmem>>) target(%dma_start3A_231 : memref<16xf32, #tpu.memory_space<hbm>>) target_semaphore(%arg9 : memref<!tpu.dma_semaphore, #tpu.memory_space<semaphore_mem>>)
      scf.yield %cond3A_69#0, %cond3A_69#1 : i32, i32
    }
    %scan3A_55 = arith.constant 8 : i32
    %scan3A_56 = arith.constant 0 : i32
    %scan3A_57 = arith.constant 0 : i32
    %scan3A_58 = arith.constant 8 : i32
    %scan3A_59 = arith.addi %scan3A_57, %scan3A_58 : i32
    %scan3A_60 = arith.constant 1 : i32
    scf.for %scan3A_62 = %scan3A_57 to %scan3A_59 step %scan3A_60  : i32 {
      %mul3A_63 = arith.constant 16 : i32
      %mul3A_64 = arith.muli %scan3A_62, %mul3A_63 : i32
      %dma_wait3A = tpu.memref_slice %arg6[%mul3A_64] : memref<128xf32, #tpu.memory_space<vmem>> -> memref<16xf32, #tpu.memory_space<vmem>>
      %dma_wait3A_65 = tpu.memref_slice %arg4[%scan3A_62, %mul3A_2] : memref<8x512xf32, #tpu.memory_space<hbm>> -> memref<1x16xf32, #tpu.memory_space<hbm>>
      %dma_wait3A_66 = tpu.memref_squeeze %dma_wait3A_65 : memref<1x16xf32, #tpu.memory_space<hbm>> -> memref<16xf32, #tpu.memory_space<hbm>>
      %dma_wait3A_67 = tpu.memref_slice %arg4[%scan3A_62, %mul3A_2] : memref<8x512xf32, #tpu.memory_space<hbm>> -> memref<1x16xf32, #tpu.memory_space<hbm>>
      %dma_wait3A_68 = tpu.memref_squeeze %dma_wait3A_67 : memref<1x16xf32, #tpu.memory_space<hbm>> -> memref<16xf32, #tpu.memory_space<hbm>>
      %dma_wait3A_69 = tpu.memref_slice %arg6[%mul3A_64] : memref<128xf32, #tpu.memory_space<vmem>> -> memref<16xf32, #tpu.memory_space<vmem>>
      tpu.wait_dma2 semaphore(%arg9 : memref<!tpu.dma_semaphore, #tpu.memory_space<semaphore_mem>>) src(%dma_wait3A_69 : memref<16xf32, #tpu.memory_space<vmem>>) dst(%dma_wait3A_68 : memref<16xf32, #tpu.memory_space<hbm>>)
    }
    %scan3A_61 = arith.constant 8 : i32
    return
  }
}

</mosaic_0001>

<sc_bundles>
// kernel: kernel.3.cloned.1.call-start
scs
__scs_entry_jumppad:
0x0: {  	(pc) =	sbr.rel $0x88, $3  }
0x1: {  	(tag) =	ssettag $0x0;
	lr =	simm.s32 $0x1  }
0x2: {  	[smem:$0x3F9F] =	sst lr;
	_ =	strace $0xD0000000  }
0x3: {  	_ = 	snop  }
0x4: {  	_ = 	snop  }
0x5: {  	_ = 	snop  }
0x6: {  	_ = 	snop  }
0x7: {  	_ = 	snop  }
__scs_overlays_trampoline_lowered:
0x8: {  	[smem:$0x3FAE] =	sst s0  }
0x9: {  	[smem:$0x3FAF] =	sst s1  }
0xa: {  	[smem:$0x3FB0] =	sst s2  }
0xb: {  	[smem:$0x3FB1] =	sst s3  }
0xc: {  	[smem:$0x3FB2] =	sst s4  }
0xd: {  	[smem:$0x3FB3] =	sst s5  }
0xe: {  	[smem:$0x3FB4] =	sst s6  }
0xf: {  	[smem:$0x3FB5] =	sst s7  }
0x10: {  	[smem:$0x3FB6] =	sst s8  }
0x11: {  	[smem:$0x3FB7] =	sst s9;
	s0 =	simm.s32 @!p0 $0x0  }
0x12: {  	s1 =	sld [smem:$0x3F9D];
	s0 =	simm.s32 @p0 $0x1  }
0x13: {  	[smem:$0x3FB8] =	sst s0;
	s0 =	simm.s32 @!p1 $0x0  }
0x14: {  	s2 =	sld [smem:$0x3F9C];
	s0 =	simm.s32 @p1 $0x1  }
0x15: {  	[smem:$0x3FB9] =	sst s0;
	s0 =	simm.s32 @!p2 $0x0  }
0x16: {  	s3 =	sld [smem:$0x3FDB];
	s0 =	simm.s32 @p2 $0x1  }
0x17: {  	s4 =	simm.s32 $0x1BF5;
	[smem:$0x3FBB] =	sst s0  }
0x18: {  	s0 =	sld [smem:$0x3F9E];
	_ =	swait.ge [sflag:s4], $0x0  }
0x19: {  	s7 =	sld [smem:$0x3F9F]  }
0x1a: {  	s8 =	sadd.s32 $0xFFFFE003, lr  }
0x1b: {  	s9 =	sadd.s32 $0xFFFFFEF7, lr;
	s5 =	simm.s32 $0xFFFFFFFF;
	p2 =	slt.u32 s8, $0xFFFFF086  }
0x1c: {  	p1 =	slt.u32 s9, $0xF7A;
	s5 =	simm.s32 @!p2 $0x0  }
0x1d: {  	s5 =	simm.s32 @p1 $0x1;
	p0 =	seq.s32 s7, s2  }
0x1e: {  	s7 =	smul.u32 @!p0 $0xF7A, s2;
	p2 =	seq.s32 @!p0 s5, $0x0  }
0x1f: {  	s9 =	smul.u32 $0xF7A, s1;
	s8 =	simm.s32 @!p0 $0x1BF5;
	p2 =	por !p2, p0  }
0x20: {  	[sflag:s8] =	ssyncset.s32 @!p0 $0xFFFFF086;
	s6 =	sadd.s32 @!p0 s3, s7;
	s7 =	simm.s32 @!p0 $0x108  }
0x21: {  	s3 =	sadd.s32 s3, s9;
	s6 =	sadd.s32 @!p0 $0x88, s6;
	s7 =	simm.s32 @p2 $0x1082  }
0x22: {  	[simem:s7], [sflag:s8] =	dma.local @!p0 [hbm:s6], $0xF7A  }
0x23: {  	s9 =	sor.u32 $0xD0000000, s2;
	s6 =	simm.s32 $0x108;
	_ =	swait.ge @!p0 [sflag:s8], $0x0  }
0x24: {  	s3 =	sadd.s32 $0x88, s3;
	s6 =	simm.s32 @!p1 $0x1082;
	[sflag:s4] =	ssyncset.s32 $0xFFFFF086  }
0x25: {  	[simem:s6], [sflag:s4] =	dma.local [hbm:s3], $0xF7A  }
0x26: {  	[smem:$0x3F9F] =	sst s1;
	(tag) =	ssettag s2;
	_ =	strace s9  }
0x27: {  	s1 =	sld [smem:$0x3FAF]  }
0x28: {  	s2 =	sld [smem:$0x3FB0]  }
0x29: {  	s4 =	sld [smem:$0x3FB2]  }
0x2a: {  	p0 =	seq.s32 s5, $0x0;
	s5 =	sld [smem:$0x3FB3]  }
0x2b: {  	s6 =	sld [smem:$0x3FB4]  }
0x2c: {  	s7 =	sld [smem:$0x3FB5]  }
0x2d: {  	s3 =	simm.s32 $0x108;
	s8 =	sld [smem:$0x3FB6]  }
0x2e: {  	s3 =	simm.s32 @!p0 $0x1082;
	s9 =	sld [smem:$0x3FB7]  }
0x2f: {  	lr =	sadd.s32 s0, s3;
	s0 =	sld [smem:$0x3FAE]  }
0x30: {  	s3 =	sld [smem:$0x3FB1]  }
0x31: {  	[smem:$0x3FBA] =	sst s10  }
0x32: {  	s10 =	sld [smem:$0x3FB8];
	_ =	sdelay $0x3  }
0x33: {  	p0 =	seq.s32 s10, $0x1;
	s10 =	sld [smem:$0x3FBA];
	_ =	sdelay $0x3  }
0x34: {  	[smem:$0x3FBA] =	sst s10  }
0x35: {  	s10 =	sld [smem:$0x3FB9];
	_ =	sdelay $0x3  }
0x36: {  	p1 =	seq.s32 s10, $0x1;
	s10 =	sld [smem:$0x3FBA];
	_ =	sdelay $0x3  }
0x37: {  	[smem:$0x3FBA] =	sst s10  }
0x38: {  	s10 =	sld [smem:$0x3FBB]  }
0x39: {  	_ = 	snop;
	(pc) =	sbr.ind lr, $3  }
0x3a: {  	_ = 	snop  }
0x3b: {  	_ = 	snop  }
0x3c: {  	p2 =	seq.s32 s10, $0x1;
	s10 =	sld [smem:$0x3FBA]  }
0x3d: {  	_ =	shalt  }
0x3e: {  	_ =	shalt  }
0x3f: {  	_ =	shalt  }
0x40: {  	_ =	shalt  }
0x41: {  	_ =	shalt  }
0x42: {  	_ =	shalt  }
0x43: {  	_ =	shalt  }
0x44: {  	_ =	shalt  }
0x45: {  	_ =	shalt  }
0x46: {  	_ =	shalt  }
0x47: {  	_ =	shalt  }
0x48: {  	_ =	shalt  }
0x49: {  	_ =	shalt  }
0x4a: {  	_ =	shalt  }
0x4b: {  	_ =	shalt  }
0x4c: {  	_ =	shalt  }
0x4d: {  	_ =	shalt  }
0x4e: {  	_ =	shalt  }
0x4f: {  	_ =	shalt  }
0x50: {  	_ =	shalt  }
0x51: {  	_ =	shalt  }
0x52: {  	_ =	shalt  }
0x53: {  	_ =	shalt  }
0x54: {  	_ =	shalt  }
0x55: {  	_ =	shalt  }
0x56: {  	_ =	shalt  }
0x57: {  	_ =	shalt  }
0x58: {  	_ =	shalt  }
0x59: {  	_ =	shalt  }
0x5a: {  	_ =	shalt  }
0x5b: {  	_ =	shalt  }
0x5c: {  	_ =	shalt  }
0x5d: {  	_ =	shalt  }
0x5e: {  	_ =	shalt  }
0x5f: {  	_ =	shalt  }
0x60: {  	_ =	shalt  }
0x61: {  	_ =	shalt  }
0x62: {  	_ =	shalt  }
0x63: {  	_ =	shalt  }
0x64: {  	_ =	shalt  }
0x65: {  	_ =	shalt  }
0x66: {  	_ =	shalt  }
0x67: {  	_ =	shalt  }
0x68: {  	_ =	shalt  }
0x69: {  	_ =	shalt  }
0x6a: {  	_ =	shalt  }
0x6b: {  	_ =	shalt  }
0x6c: {  	_ =	shalt  }
0x6d: {  	_ =	shalt  }
0x6e: {  	_ =	shalt  }
0x6f: {  	_ =	shalt  }
0x70: {  	_ =	shalt  }
0x71: {  	_ =	shalt  }
0x72: {  	_ =	shalt  }
0x73: {  	_ =	shalt  }
0x74: {  	_ =	shalt  }
0x75: {  	_ =	shalt  }
0x76: {  	_ =	shalt  }
0x77: {  	_ =	shalt  }
0x78: {  	_ =	shalt  }
0x79: {  	_ =	shalt  }
0x7a: {  	_ =	shalt  }
0x7b: {  	_ =	shalt  }
0x7c: {  	_ =	shalt  }
0x7d: {  	_ =	shalt  }
0x7e: {  	_ =	shalt  }
0x7f: {  	_ =	shalt  }
0x80: {  	_ =	shalt  }
0x81: {  	_ =	shalt  }
0x82: {  	_ =	shalt  }
0x83: {  	_ =	shalt  }
0x84: {  	_ =	shalt  }
0x85: {  	_ =	shalt  }
0x86: {  	_ =	shalt  }
0x87: {  	_ =	shalt  }
.Lfunc_end0:
.L_simem_size_0:
called_computation_lowered:
.L_overlay_start_0:
0x88: {  	s2 =	sld [smem:$0x3FD9]  }
0x89: {  	s3 =	sld [smem:$0x3FFE];
	_ =	sdelay $0x1  }
0x8a: {  	s1 =	srdreg.scid  }
0x8b: {  	s0 =	sand.u32 $0x1, s1  }
0x8c: {  	s18 =	sshll.u32 s0, $0xA;
	s2 =	sadd.s32 s3, s2  }
0x8d: {  	s2 =	sadd.s32 s2, s18  }
0x8e: {  	[smem:$0x3FC6] =	sst s2  }
0x8f: {  	_ = 	snop  }
0x90: {  	s2 =	sld [smem:$0x3FC9]  }
0x91: {  	s19 =	sld [smem:$0x3FC8]  }
0x92: {  	s4 =	sld [smem:$0x3FD0];
	(tm) =	ssettm $0x1  }
0x93: {  	s5 =	sld [smem:$0x3FFB];
	_ =	sdelay $0x3  }
0x94: {  	_ =	strace s5  }
0x95: {  	s5 =	sld [smem:$0x3FFC];
	_ =	sdelay $0x3  }
0x96: {  	_ =	strace s5  }
0x97: {  	s5 =	sld [smem:$0x3FFD];
	_ =	sdelay $0x3  }
0x98: {  	_ =	strace s5  }
0x99: {  	_ =	strace $0x8FFFFFFF  }
0x9a: {  	s20 =	sld [smem:$0x3FDB];
	_ =	sdelay $0x1  }
0x9b: {  	s6 =	simm.s32 $_scs_section_size  }
0x9c: {  	s7 =	simm.s32 $_size__tile_overlayer_lowered;
	s8 =	simm.s32 $_tile_overlayer_lowered  }
0x9d: {  	s23 =	simm.s32 $0x1BFF;
	s22 =	sshll.u32 s8, $0x1;
	s5 =	sadd.s32 s6, s20  }
0x9e: {  	s9 =	simm.s32 $0x0;
	s21 =	sshll.u32 s7, $0x1;
	s7 =	sadd.s32 s22, s5  }
0x9f: {  	[timem:s9], [sflag:s23] =	dma.local [hbm:s7], s21  }
0xa0: {  	_ =	swait.ge [sflag:s23], s21  }
0xa1: {  	s6 =	ssub.s32 $0x0, s21;
	[sflag:s23] =	ssyncset.done $0x0  }
0xa2: {  	[sflag:s23] =	ssyncadd.s32 s6;
	_ =	sdelay $0x1  }
0xa3: {  	s24 =	simm.s32 $0x1B8B  }
0xa4: {  	_ =	swait.ge [sflag:s24], $0x1  }
0xa5: {  	[sflag:s24] =	ssyncset.done $0x0  }
0xa6: {  	s25 =	simm.s32 $0x1B8E;
	[sflag:s24] =	ssyncadd.s32 $0xFFFFFFFF  }
0xa7: {  	s26 =	simm.s32 $execute0_lowered;
	[smem:$0x3FD2] =	sst s25  }
0xa8: {  	s6 =	sshll.u32 s26, $0x1;
	_ =	strace $0x80000046;
	[dreg:$0x1] =	wrdreg $0xFFFFFFFF  }
0xa9: {  	s28 =	simm.s32 $_size_execute0_lowered;
	s5 =	sadd.s32 s5, s6;
	[dreg:$0x0] =	wrdreg $0x0  }
0xaa: {  	s6 =	sshll.u32 s28, $0x1;
	[dreg:$0x2] =	wrdreg s5  }
0xab: {  	[dreg:$0x3] =	wrdreg s6  }
0xac: {  	[dreg:$0x4] =	wrdreg $0xC0  }
0xad: {  	_ =	task [dreg:s9], $0x5FFFF  }
0xae: {  	[dreg:$0x1] =	wrdreg $0xFFFFFFFF  }
0xaf: {  	[dreg:$0x0] =	wrdreg $0x60  }
0xb0: {  	[dreg:$0x2] =	wrdreg s2  }
0xb1: {  	[dreg:$0x3] =	wrdreg s19  }
0xb2: {  	[dreg:$0x4] =	wrdreg s4  }
0xb3: {  	[dreg:$0x5] =	wrdreg $0x9  }
0xb4: {  	_ =	task.clear_ibuf [dreg:s9], $0x6FFFF;
	_ =	strace $0x90000046  }
0xb5: {  	s29 =	simm.s32 $0x9;
	_ =	strace $0x80000048  }
0xb6: {  	_ =	swait.ge [sflag:s29], $0x1  }
0xb7: {  	[sflag:s29] =	ssyncadd.s32 $0xFFFFFFFF  }
0xb8: {  	_ =	strace $0x90000048  }
0xb9: {  	_ =	sfence  }
0xba: {  	s30 =	sld [smem:$0x0];
	_ =	sdelay $0x2  }
0xbb: {  	s31 =	sshll.u32 s1, $0xD;
	s1 =	sshrl.u32 s1, $0x2  }
0xbc: {  	s3 =	sand.u32 $0x4000, s31;
	s1 =	sadd.s32 s1, s30  }
0xbd: {  	s0 =	sor.u32 s3, s0;
	s1 =	sshll.u32 s1, $0x11  }
0xbe: {  	s0 =	sor.u32 s1, s0  }
0xbf: {  	s0 =	sadd.s32 $0x8F2B, s0  }
0xc0: {  	[sflag:s0] =	ssyncadd.remote.s32 $0x1  }
0xc1: {  	_ =	sfence.sel $0xFFFF  }
0xc2: {  	[dreg:$0x0] =	wrdreg $0xFFFFFFFF;
	(pc) =	sbr.abs _section_cstart, $3  }
0xc3: {  	[dreg:$0x1] =	wrdreg $0xFFFFFFFF  }
0xc4: {  	_ =	task.clear_ibuf [dreg:s9], $0x2FFFF;
	_ =	strace $0x9FFFFFFF  }
0xc5: {  	(tm) =	ssettm $0x7FFFFFFF  }
tec
execute0_lowered:
.L_overlay_start_1:
0x0: {  	(tag) =	ssettag $0x1  }
0x1: {  	v0 =	vimm.s32 $0xFEDCBA98;
	s0 =	rddreg [dreg:$0x0];
	v1 =	vimm.s32 $0x76543210;
	v2 =	vimm.s32 $0xBA98FEDC  }
0x2: {  	s3 =	rddreg [dreg:$0x2];
	s4 =	simm.s32 $0x0;
	s1 =	srdreg.scid;
	v3 =	vimm.s32 $0x32107654;
	v4 =	vimm.s32 $0xDCFE98BA;
	v5 =	vimm.s32 $0x54761032  }
0x3: {  	s8 =	stileid.u32;
	v6 =	vimm.s32 $0xEFCDAB89;
	v7 =	vimm.s32 $0x67452301;
	[smem:$0x7FF] =	sst s4;
	s1 =	sand.u32 $0x1, s1  }
0x4: {  	v0 =	vunpack.c.l.s4.s8 v0;
	v1 =	vunpack.c.l.s4.s8 v1;
	v2 =	vunpack.c.l.s4.s8 v2;
	s5 =	sshll.u32 s8, $0x5;
	s29 =	sshll.u32 s8, $0x8;
	s8 =	sshll.u32 s8, $0x10  }
0x5: {  	v3 =	vunpack.c.l.s4.s8 v3;
	v4 =	vunpack.c.l.s4.s8 v4;
	v5 =	vunpack.c.l.s4.s8 v5;
	s2 =	ssub.s32 $0x2, s1;
	s6 =	sshll.u32 s1, $0x4;
	s1 =	sshll.u32 s1, $0xF  }
0x6: {  	v6 =	vunpack.c.l.s4.s8 v6;
	v7 =	vunpack.c.l.s4.s8 v7;
	_ =	strace $0x80000047;
	v0 =	vunpack.c.0.s8.s32 v0;
	s7 =	sshrl.u32 s2, $0x1;
	s1 =	sor.u32 s1, s8  }
0x7: {  	s5 =	sor.u32 s6, s5;
	v2 =	vunpack.c.0.s8.s32 v2;
	v3 =	vunpack.c.0.s8.s32 v3;
	v4 =	vunpack.c.0.s8.s32 v4;
	s2 =	ssub.s32 s2, s7;
	s31 =	sor.u32 $0x800, s1  }
.Ltmp0:
0x8: {  	v5 =	vunpack.c.0.s8.s32 v5;
	v6 =	vunpack.c.0.s8.s32 v6;
	v7 =	vunpack.c.0.s8.s32 v7;
	s1 =	sor.u32 $0x100000, s1;
	[dreg:$0x7] =	wrdreg s31;
	(pc) =	sbr.rel .LBB2_1-.Ltmp0, $4  }
0x9: {  	v1 =	vunpack.c.0.s8.s32 v1;
	s6 =	sshll.u32 s5, $0x8;
	v2 =	vcombine.low v3, v2;
	s2 =	smax.u32 s2, $0x1;
	[dreg:$0x8] =	wrdreg s1  }
0xa: {  	s15 =	simm.s32 $0x3;
	s6 =	sadd.s32 s0, s6;
	v3 =	vcombine.low v5, v4;
	v4 =	vand.u32 $0xF, v0;
	v5 =	vcombine.low v7, v6;
	[dreg:$0x5] =	wrdreg s2  }
0xb: {  	s5 =	sor.u32 s5, s29;
	v0 =	vlaneseq.u32;
	[dreg:$0x4] =	wrdreg s6;
	s30 =	sadd.s32 $0x800, s6;
	v1 =	vcombine.low v4, v1  }
0xc: {  	s16 =	simm.s32 $0x0;
	s7 =	sand.u32 $0xC70, s5;
	[dreg:$0x6] =	wrdreg s30;
	v2 =	vand.u32 $0xF, v2;
	v3 =	vand.u32 $0xF, v3;
	v4 =	vand.u32 $0xF, v5  }
.LBB2_22:
0xd: {  	_ =	swait.ge [sflag:s15], $0x10  }
0xe: {  	[sflag:s15] =	ssyncset.done $0x0  }
0xf: {  	[sflag:s15] =	ssyncadd.s32 $0xFFFFFFF0  }
0x10: {  	_ =	swait.ge [sflag:s15], $0x10  }
0x11: {  	[sflag:s15] =	ssyncset.done $0x0  }
0x12: {  	[sflag:s15] =	ssyncadd.s32 $0xFFFFFFF0  }
0x13: {  	_ =	swait.ge [sflag:s15], $0x10  }
0x14: {  	[sflag:s15] =	ssyncset.done $0x0  }
0x15: {  	[sflag:s15] =	ssyncadd.s32 $0xFFFFFFF0  }
0x16: {  	_ =	swait.ge [sflag:s15], $0x10  }
0x17: {  	[sflag:s15] =	ssyncset.done $0x0  }
0x18: {  	[sflag:s15] =	ssyncadd.s32 $0xFFFFFFF0  }
0x19: {  	_ =	swait.ge [sflag:s15], $0x10  }
0x1a: {  	[sflag:s15] =	ssyncset.done $0x0  }
0x1b: {  	[sflag:s15] =	ssyncadd.s32 $0xFFFFFFF0  }
0x1c: {  	_ =	swait.ge [sflag:s15], $0x10  }
0x1d: {  	[sflag:s15] =	ssyncset.done $0x0  }
0x1e: {  	[sflag:s15] =	ssyncadd.s32 $0xFFFFFFF0  }
0x1f: {  	_ =	swait.ge [sflag:s15], $0x10  }
0x20: {  	[sflag:s15] =	ssyncset.done $0x0  }
0x21: {  	[sflag:s15] =	ssyncadd.s32 $0xFFFFFFF0  }
0x22: {  	_ =	swait.ge [sflag:s15], $0x10  }
0x23: {  	s16 =	sadd.s32 $0x1, s16;
	s1 =	rddreg [dreg:$0x5]  }
0x24: {  	p0 =	sne.s32 s16, s1  }
.Ltmp1:
0x25: {  	_ = 	snop;
	(pc) =	sbr.rel @!p0 .LBB2_23-.Ltmp1, $3  }
0x26: {  	_ =	sdelay $0x1  }
0x27: {  	[sflag:s15] =	ssyncset.done $0x0  }
0x28: {  	[sflag:s15] =	ssyncadd.s32 $0xFFFFFFF0  }
.LBB2_1:
0x29: {  	s1 =	rddreg [dreg:$0x4]  }
0x2a: {  	[tilespmem:s4], [sflag:$0x1] =	stream.linear.gather [hbm4b:s1+s4], $0x800, $0x38;
	[tilespmem:$0x10100] =	vst v63  }
0x2b: {  	s25 =	rddreg [dreg:$0x6];
	s2 =	simm.s32 $0x4000  }
0x2c: {  	[tilespmem:s2], [sflag:$0x1] =	stream.linear.gather [hbm4b:s25+s4], $0x800, $0x38;
	[tilespmem:$0x10100] =	vst v63  }
0x2d: {  	s26 =	rddreg [dreg:$0x1];
	s28 =	simm.s32 $0x10080;
	s29 =	simm.s32 $0x4  }
0x2e: {  	[tilespmem:s28], [sflag:$0x4] =	stream.linear.gather [hbm4b:s26+s4], $0x8, $0x38;
	[tilespmem:$0x10100] =	vst v63  }
0x2f: {  	_ =	swait.ge [sflag:s29], $0x8  }
0x30: {  	[sflag:s29] =	ssyncset.done $0x0  }
0x31: {  	[sflag:s29] =	ssyncadd.s32 $0xFFFFFFF8  }
0x32: {  	v5 =	vld [tilespmem:$0x10080];
	_ =	sdelay $0x4  }
0x33: {  	(v2sf) =	vpush v5, $0x0;
	_ =	sdelay $0xe  }
0x34: {  	s1 =	spop (v2sf)  }
0x35: {  	s30 =	sadd.s32 $0xFF, s1  }
0x36: {  	s5 =	sand.u32 $0xFF, s30  }
0x37: {  	s31 =	sshra.s32 s30, $0x1F;
	p1 =	slt.s32 s30, $0x1;
	p0 =	sne.s32 s5, $0x0  }
0x38: {  	s5 =	sshrl.u32 s31, $0x18;
	p0 =	por !p1, !p0  }
0x39: {  	s6 =	simm.s32 $0x1;
	s2 =	sadd.s32 s5, s30;
	p0 =	por !p0, !p0  }
0x3a: {  	s5 =	sshra.s32 s2, $0x8;
	s6 =	simm.s32 @!p0 $0x0  }
0x3b: {  	s2 =	ssub.s32 s5, s6  }
0x3c: {  	p1 =	slt.s32 s2, $0x2  }
.Ltmp2:
0x3d: {  	_ = 	snop;
	(pc) =	sbr.rel @p1 .LBB2_5-.Ltmp2, $1  }
0x3e: {  	_ =	sdelay $0x3  }
0x3f: {  	s6 =	simm.s32 $0xFFFFFFFF  }
0x40: {  	s6 =	simm.s32 @!p0 $0x0  }
0x41: {  	s5 =	sadd.s32 s6, s5  }
0x42: {  	s5 =	sadd.s32 $0xFFFFFFFF, s5  }
0x43: {  	s9 =	rddreg [dreg:$0x7];
	p0 =	sne.s32 s5, $0x1  }
.Ltmp3:
0x44: {  	s31 =	sshrl.u32 s9, $0x3;
	(pc) =	sbr.rel @!p0 .LBB2_4-.Ltmp3, $4  }
0x45: {  	s8 =	simm.s32 $0x800;
	s6 =	sadd.s32 s0, s31  }
0x46: {  	[tilespmem:s8], [sflag:$0x1] =	stream.linear.gather [hbm4b:s6+s4], $0x800, $0x38;
	[tilespmem:$0x10100] =	vst v63  }
0x47: {  	s9 =	sadd.s32 $0x800, s9;
	s8 =	simm.s32 $0x4800  }
0x48: {  	s10 =	sadd.s32 $0x800, s6;
	s6 =	simm.s32 $0x5000;
	s5 =	sadd.s32 $0xFFFFFFFF, s5  }
.LBB2_3:
0x49: {  	[tilespmem:s8], [sflag:$0x1] =	stream.linear.gather [hbm4b:s10+s4], $0x800, $0x38;
	[tilespmem:$0x10100] =	vst v63  }
0x4a: {  	p0 =	sne.s32 s5, $0x1  }
.Ltmp4:
0x4b: {  	s5 =	sadd.s32 $0xFFFFFFFF, s5;
	(pc) =	sbr.rel @p0 .LBB2_3-.Ltmp4, $4  }
0x4c: {  	s10 =	sshrl.u32 s9, $0x3;
	s8 =	smov.u32 s6  }
0x4d: {  	s11 =	sadd.s32 $0xFFFFC000, s6;
	s10 =	sadd.s32 s0, s10  }
0x4e: {  	[tilespmem:s11], [sflag:$0x1] =	stream.linear.gather [hbm4b:s10+s4], $0x800, $0x38;
	[tilespmem:$0x10100] =	vst v63  }
0x4f: {  	s6 =	sadd.s32 $0x800, s6;
	s9 =	sadd.s32 $0x800, s9;
	s10 =	sadd.s32 $0x800, s10  }
.LBB2_4:
0x50: {  	[tilespmem:s8], [sflag:$0x1] =	stream.linear.gather [hbm4b:s10+s4], $0x800, $0x38;
	[tilespmem:$0x10100] =	vst v63  }
.LBB2_5:
.Ltmp5:
0x51: {  	(pc) =	sbr.rel .LBB2_6-.Ltmp5, $3  }
0x52: {  	_ =	sdelay $0x1  }
0x53: {  	s20 =	simm.s32 $0x0  }
0x54: {  	p0 =	por $0x1, $0x1;
	p1 =	por $0x0, $0x0;
	s17 =	rddreg [dreg:$0x8]  }
.LBB2_21:
0x55: {  	s1 =	sshll.u32 s20, $0x7;
	s2 =	sshll.u32 s20, $0x4;
	p2 =	sne.s32 s18, $0x8  }
.Ltmp6:
0x56: {  	p0 =	por !p0, !p0;
	s1 =	sadd.s32 s7, s1;
	(pc) =	sbr.rel @!p2 .LBB2_22-.Ltmp6, $4  }
0x57: {  	s17 =	sadd.s32 $0x100000, s17;
	s2 =	sand.u32 $0x3FFFFFF0, s2;
	s1 =	sshrl.u32 s1, $0x3  }
0x58: {  	p1 =	por !p1, !p1;
	s5 =	sadd.s32 $0x10000, s2;
	[tilespmem:s2+$0x10000] =	vst v5;
	s1 =	sadd.s32 s3, s1  }
0x59: {  	[hbm4b:s1+s4] =	stream.linear.scatter [tilespmem:s5], [sflag:$0x3], $0x10, $0x38;
	[tilespmem:$0x10100] =	vst v63  }
0x5a: {  	s20 =	smov.u32 s18;
	s2 =	smov.u32 s21;
	s1 =	smov.u32 s19  }
.LBB2_6:
0x5b: {  	s18 =	sadd.s32 $0x1, s20;
	p2 =	seq.s32 s20, $0x7  }
0x5c: {  	v5 =	vld @!p2 [tilespmem:s18+$0x10080];
	_ =	sdelay $0x4  }
0x5d: {  	(v2sf) =	vpush @!p2 v5, $0x0;
	_ =	sdelay $0xe  }
0x5e: {  	s19 =	spop @!p2 (v2sf)  }
0x5f: {  	s5 =	sadd.s32 @!p2 $0xFF, s19  }
0x60: {  	s6 =	sand.u32 @!p2 $0xFF, s5  }
0x61: {  	p3 =	slt.s32 @!p2 s5, $0x1;
	p4 =	sne.s32 @!p2 s6, $0x0  }
0x62: {  	s6 =	sshra.s32 @!p2 s5, $0x1F;
	p3 =	por @!p2 !p3, !p4  }
0x63: {  	s6 =	sshrl.u32 @!p2 s6, $0x18;
	p3 =	por @!p2 !p3, !p3  }
0x64: {  	s5 =	sadd.s32 @!p2 s6, s5;
	s6 =	simm.s32 @!p2 $0x1;
	p3 =	por !p3, p2  }
0x65: {  	s5 =	sshra.s32 @!p2 s5, $0x8;
	s6 =	simm.s32 @p3 $0x0  }
0x66: {  	s21 =	ssub.s32 @!p2 s5, s6  }
0x67: {  	p3 =	slt.s32 @!p2 s21, $0x1  }
0x68: {  	p3 =	por p2, p3  }
.Ltmp7:
0x69: {  	_ = 	snop;
	(pc) =	sbr.rel @p3 .LBB2_7-.Ltmp7, $1  }
0x6a: {  	_ =	sdelay $0x3  }
0x6b: {  	s5 =	simm.s32 $0x1;
	s6 =	sand.u32 $0x1, s18;
	s8 =	sshrl.u32 s17, $0x3  }
0x6c: {  	p2 =	sne.s32 s21, $0x1;
	s5 =	simm.s32 @!p0 $0x0;
	s6 =	sadd.s32 $0x1, s6  }
.Ltmp8:
0x6d: {  	s8 =	sadd.s32 s0, s8;
	s5 =	sshll.u32 s5, $0xF;
	(pc) =	sbr.rel @!p2 .LBB2_10-.Ltmp8, $4  }
0x6e: {  	[tilespmem:s5], [sflag:s6] =	stream.linear.gather [hbm4b:s8+s4], $0x800, $0x38;
	[tilespmem:$0x10100] =	vst v63  }
0x6f: {  	s8 =	sadd.s32 $0x800, s8;
	s9 =	sadd.s32 $0x4000, s5  }
0x70: {  	[tilespmem:s9], [sflag:s6] =	stream.linear.gather [hbm4b:s8+s4], $0x800, $0x38;
	[tilespmem:$0x10100] =	vst v63  }
0x71: {  	s8 =	sadd.s32 $0xFFFFFFFF, s21;
	s9 =	sadd.s32 $0x800, s17  }
.LBB2_9:
0x72: {  	s10 =	sshrl.u32 s9, $0x3;
	p2 =	sne.s32 s8, $0x1;
	s8 =	sadd.s32 $0xFFFFFFFF, s8  }
.Ltmp9:
0x73: {  	s5 =	sadd.s32 $0x800, s5;
	s10 =	sadd.s32 s0, s10;
	(pc) =	sbr.rel @p2 .LBB2_9-.Ltmp9, $4  }
0x74: {  	[tilespmem:s5], [sflag:s6] =	stream.linear.gather [hbm4b:s10+s4], $0x800, $0x38;
	[tilespmem:$0x10100] =	vst v63  }
0x75: {  	s11 =	sadd.s32 $0x4000, s5;
	s10 =	sadd.s32 $0x800, s10  }
0x76: {  	[tilespmem:s11], [sflag:s6] =	stream.linear.gather [hbm4b:s10+s4], $0x800, $0x38;
	[tilespmem:$0x10100] =	vst v63  }
0x77: {  	s9 =	sadd.s32 $0x800, s9  }
.Ltmp10:
0x78: {  	_ = 	snop;
	(pc) =	sbr.rel .LBB2_10-.Ltmp10, $1  }
0x79: {  	_ =	sdelay $0x3  }
.LBB2_7:
0x7a: {  	s21 =	simm.s32 @p2 $0x0;
	s19 =	smov.u32 @p2 s1  }
.LBB2_10:
0x7b: {  	p2 =	slt.s32 s2, $0x1  }
.Ltmp11:
0x7c: {  	_ = 	snop;
	(pc) =	sbr.rel @p2 .LBB2_14-.Ltmp11, $2  }
0x7d: {  	_ =	sdelay $0x2  }
0x7e: {  	s5 =	sand.u32 $0x1, s20  }
0x7f: {  	p2 =	sne.s32 s2, $0x1  }
.Ltmp12:
0x80: {  	_ = 	snop;
	(pc) =	sbr.rel @!p2 .LBB2_13-.Ltmp12, $4  }
0x81: {  	_ = 	snop  }
0x82: {  	s6 =	sadd.s32 $0x1, s5  }
0x83: {  	_ =	swait.ge [sflag:s6], $0x1000  }
0x84: {  	s2 =	sadd.s32 $0xFFFFFFFF, s2;
	[sflag:s6] =	ssyncset.done $0x0  }
.LBB2_12:
0x85: {  	p2 =	sne.s32 s2, $0x1;
	s2 =	sadd.s32 $0xFFFFFFFF, s2;
	[sflag:s6] =	ssyncadd.s32 $0xFFFFF000  }
.Ltmp13:
0x86: {  	(pc) =	sbr.rel @p2 .LBB2_12-.Ltmp13, $3  }
0x87: {  	_ =	sdelay $0x1  }
0x88: {  	_ =	swait.ge [sflag:s6], $0x1000  }
0x89: {  	[sflag:s6] =	ssyncset.done $0x0  }
.LBB2_13:
0x8a: {  	[sflag:s6] =	ssyncadd.s32 $0xFFFFF000  }
.LBB2_14:
0x8b: {  	s2 =	sand.u32 $0x7F, s1  }
0x8c: {  	s6 =	sshra.s32 s1, $0x1F;
	p2 =	slt.s32 s1, $0x1;
	p3 =	sne.s32 s2, $0x0  }
0x8d: {  	s22 =	sshrl.u32 s6, $0x19;
	p2 =	por !p2, !p3  }
0x8e: {  	s6 =	simm.s32 $0x1;
	s2 =	sadd.s32 s22, s1;
	p2 =	por !p2, !p2  }
0x8f: {  	s2 =	sshra.s32 s2, $0x7;
	s6 =	simm.s32 @!p2 $0x0  }
0x90: {  	s22 =	ssub.s32 s2, s6  }
0x91: {  	s2 =	sshll.u32 s22, $0x7  }
0x92: {  	s5 =	sshll.u32 s5, $0xF;
	s6 =	simm.s32 $0x1;
	p2 =	slt.s32 s2, $0x780  }
0x93: {  	s28 =	simm.s32 $0x0;
	s6 =	simm.s32 @!p1 $0x0;
	s2 =	simm.s32 @!p2 $0x780  }
0x94: {  	s8 =	sor.u32 $0x10, s2;
	s9 =	sor.u32 $0x20, s2;
	s10 =	sor.u32 $0x30, s2  }
0x95: {  	v6 =	vmov s1;
	v5 =	vimm.f32 $-Inf;
	s11 =	sor.u32 $0x40, s2;
	s23 =	sor.u32 $0x50, s2;
	s24 =	sor.u32 $0x60, s2;
	v9 =	vor.u32 s2, v0  }
.Ltmp14:
0x96: {  	s25 =	sshll.u32 s2, $0x5;
	s2 =	sor.u32 $0x70, s2;
	v7 =	vor.u32 s8, v0;
	v8 =	vor.u32 s9, v0;
	v10 =	vor.u32 s10, v0;
	(pc) =	sbr.rel .LBB2_15-.Ltmp14, $4  }
0x97: {  	s29 =	simm.s32 $0x0;
	s30 =	simm.s32 $0x0;
	s6 =	sshll.u32 s6, $0x11;
	v11 =	vor.u32 s11, v0;
	v12 =	vor.u32 s23, v0;
	v14 =	vor.u32 s2, v0  }
0x98: {  	s31 =	simm.s32 $0x0;
	p3 =	sgt.s32 s22, $0x0;
	s26 =	sshrl.u32 s6, $0x2;
	v13 =	vor.u32 s24, v0;
	vm7 =	vlt.s32 v9, v6;
	vm0 =	vlt.s32 v14, v6  }
0x99: {  	p2 =	por $0x0, $0x0;
	s9 =	sshra.s32 s25, $0x2;
	s24 =	sadd.s32 $0x180, s26;
	vm1 =	vlt.s32 v13, v6;
	vm2 =	vlt.s32 v12, v6;
	vm3 =	vlt.s32 v11, v6  }
0x9a: {  	s25 =	sadd.s32 $0x170, s26;
	s26 =	sadd.s32 $0x40, s26;
	s23 =	sadd.s32 s9, s5;
	vm4 =	vlt.s32 v10, v6;
	vm5 =	vlt.s32 v8, v6;
	vm6 =	vlt.s32 v7, v6  }
.LBB2_16:
0x9b: {  	v9 =	vimm.f32 $-Inf;
	v8 =	vimm.f32 $-Inf  }
0x9c: {  	s6 =	sshll.u32 s1, $0x7;
	v10 =	vimm.f32 $-Inf;
	v7 =	vimm.f32 $-Inf;
	v12 =	vimm.f32 $-Inf  }
0x9d: {  	s8 =	sand.u32 $0x280, s8;
	s10 =	sand.u32 $0x300, s9;
	v6 =	vimm.f32 $-Inf;
	v15 =	vimm.f32 $-Inf;
	v11 =	vimm.f32 $-Inf;
	s9 =	sand.u32 $0x380, s6  }
.LBB2_20:
0x9e: {  	s6 =	sshll.u32 s31, $0xD  }
0x9f: {  	s11 =	sshll.u32 s31, $0x9;
	s6 =	sand.u32 $0x4000, s6  }
0xa0: {  	s11 =	sand.u32 $0x200, s11;
	s6 =	sadd.s32 s6, s23  }
0xa1: {  	s13 =	sadd.s32 s11, s6  }
0xa2: {  	s8 =	sadd.s32 s8, s6;
	v13 =	vld [tilespmem:s13+$0x0]  }
0xa3: {  	s14 =	sadd.s32 s10, s6;
	v14 =	vld [tilespmem:s8+$0x0]  }
0xa4: {  	s6 =	sadd.s32 s9, s6;
	v16 =	vld [tilespmem:s14+$0x0]  }
0xa5: {  	v17 =	vld [tilespmem:s6+$0x0]  }
0xa6: {  	v18 =	vld [tilespmem:s13+$0x10]  }
0xa7: {  	v19 =	vld [tilespmem:s8+$0x10]  }
0xa8: {  	v20 =	vld [tilespmem:s14+$0x10]  }
0xa9: {  	v21 =	vld [tilespmem:s6+$0x10]  }
0xaa: {  	v22 =	vld [tilespmem:s13+$0x20]  }
0xab: {  	v23 =	vld [tilespmem:s8+$0x20]  }
0xac: {  	v24 =	vld [tilespmem:s14+$0x20]  }
0xad: {  	v25 =	vld [tilespmem:s6+$0x20]  }
0xae: {  	v26 =	vld [tilespmem:s13+$0x30]  }
0xaf: {  	v27 =	vld [tilespmem:s8+$0x30]  }
0xb0: {  	v28 =	vld [tilespmem:s14+$0x30]  }
0xb1: {  	v29 =	vld [tilespmem:s6+$0x30]  }
0xb2: {  	v42 =	vld [tilespmem:s13+$0x40]  }
0xb3: {  	v45 =	vld [tilespmem:s8+$0x40]  }
0xb4: {  	v48 =	vld [tilespmem:s14+$0x40];
	v13 =	vmax.f32 v9, v13;
	v41 =	vmax.f32 v10, v14;
	v43 =	vmax.f32 v12, v16  }
0xb5: {  	v51 =	vld [tilespmem:s6+$0x40];
	v44 =	vmax.f32 v15, v17;
	v47 =	vmax.f32 v8, v18;
	v49 =	vmax.f32 v7, v19  }
0xb6: {  	v53 =	vld [tilespmem:s13+$0x50];
	v50 =	vmax.f32 v6, v20;
	v52 =	vmax.f32 v11, v21;
	v9 =	vsel vm7, v13, v9  }
0xb7: {  	v56 =	vld [tilespmem:s8+$0x50];
	v10 =	vsel vm7, v41, v10;
	v12 =	vsel vm7, v43, v12;
	v46 =	vsel vm7, v44, v15  }
0xb8: {  	v58 =	vld [tilespmem:s14+$0x50];
	v8 =	vsel vm6, v47, v8;
	v7 =	vsel vm6, v49, v7;
	v6 =	vsel vm6, v50, v6  }
0xb9: {  	v61 =	vld [tilespmem:s6+$0x50];
	v11 =	vsel vm6, v52, v11;
	v54 =	vmax.f32 v9, v22;
	v55 =	vmax.f32 v10, v23  }
0xba: {  	v63 =	vld [tilespmem:s13+$0x60];
	v57 =	vmax.f32 v12, v24;
	v59 =	vmax.f32 v46, v25;
	v60 =	vmax.f32 v8, v26  }
0xbb: {  	v31 =	vld [tilespmem:s8+$0x60];
	v62 =	vmax.f32 v7, v27;
	v28 =	vmax.f32 v6, v28;
	v30 =	vmax.f32 v11, v29  }
0xbc: {  	v32 =	vld [tilespmem:s14+$0x60];
	v9 =	vsel vm5, v54, v9;
	v10 =	vsel vm5, v55, v10;
	v12 =	vsel vm5, v57, v12  }
0xbd: {  	v34 =	vld [tilespmem:s6+$0x60];
	v13 =	vsel vm5, v59, v46;
	v8 =	vsel vm4, v60, v8;
	v7 =	vsel vm4, v62, v7  }
0xbe: {  	v36 =	vld [tilespmem:s13+$0x70];
	v6 =	vsel vm4, v28, v6;
	v11 =	vsel vm4, v30, v11;
	v14 =	vmax.f32 v9, v42  }
0xbf: {  	v39 =	vld [tilespmem:s8+$0x70];
	v33 =	vmax.f32 v10, v45;
	v16 =	vmax.f32 v12, v48;
	v35 =	vmax.f32 v13, v51  }
0xc0: {  	v41 =	vld [tilespmem:s14+$0x70];
	v37 =	vmax.f32 v8, v53;
	v38 =	vmax.f32 v7, v56;
	v40 =	vmax.f32 v6, v58  }
0xc1: {  	v44 =	vld [tilespmem:s6+$0x70];
	v42 =	vmax.f32 v11, v61;
	v9 =	vsel vm3, v14, v9;
	v10 =	vsel vm3, v33, v10  }
0xc2: {  	v12 =	vsel vm3, v16, v12;
	v13 =	vsel vm3, v35, v13;
	v8 =	vsel vm2, v37, v8  }
0xc3: {  	v7 =	vsel vm2, v38, v7;
	v6 =	vsel vm2, v40, v6;
	v11 =	vsel vm2, v42, v11  }
0xc4: {  	v43 =	vmax.f32 v9, v63;
	v45 =	vmax.f32 v10, v31;
	v46 =	vmax.f32 v12, v32  }
0xc5: {  	v47 =	vmax.f32 v13, v34;
	v48 =	vmax.f32 v8, v36;
	v49 =	vmax.f32 v7, v39  }
0xc6: {  	v50 =	vmax.f32 v6, v41;
	v51 =	vmax.f32 v11, v44;
	v9 =	vsel vm1, v43, v9  }
0xc7: {  	v10 =	vsel vm1, v45, v10;
	v12 =	vsel vm1, v46, v12;
	v13 =	vsel vm1, v47, v13  }
0xc8: {  	v8 =	vsel vm0, v48, v8;
	v7 =	vsel vm0, v49, v7;
	v6 =	vsel vm0, v50, v6  }
0xc9: {  	v11 =	vsel vm0, v51, v11;
	v8 =	vmax.f32 v9, v8;
	v7 =	vmax.f32 v10, v7  }
0xca: {  	v6 =	vmax.f32 v12, v6;
	v9 =	vperm.xlane v8, v1;
	v10 =	vperm.xlane v7, v1  }
0xcb: {  	v59 =	vmov s12;
	v11 =	vmax.f32 v13, v11;
	v12 =	vperm.xlane v6, v1  }
0xcc: {  	v52 =	vperm.xlane v11, v1;
	v8 =	vmax.f32 v8, v9;
	v7 =	vmax.f32 v7, v10  }
0xcd: {  	v6 =	vmax.f32 v6, v12;
	v53 =	vperm.xlane v8, v2;
	v54 =	vperm.xlane v7, v2  }
0xce: {  	v62 =	vmov s5;
	v9 =	vmax.f32 v11, v52;
	v55 =	vperm.xlane v6, v2  }
0xcf: {  	v56 =	vperm.xlane v9, v2;
	v8 =	vmax.f32 v8, v53;
	v7 =	vmax.f32 v7, v54  }
0xd0: {  	v6 =	vmax.f32 v6, v55;
	v57 =	vperm.xlane v8, v3;
	v12 =	vperm.xlane v7, v3  }
0xd1: {  	vm8 =	veq.s32 v59, v0;
	v9 =	vmax.f32 v9, v56;
	v58 =	vperm.xlane v6, v3  }
0xd2: {  	v10 =	vperm.xlane v9, v3;
	v8 =	vmax.f32 v8, v57;
	v7 =	vmax.f32 v7, v12  }
0xd3: {  	s31 =	sadd.s32 $0x1, s31;
	v6 =	vmax.f32 v6, v58;
	v11 =	vperm.xlane v8, v4;
	v12 =	vperm.xlane v7, v4  }
0xd4: {  	p4 =	sne.s32 s31, $0x4;
	v61 =	vmov s2;
	v9 =	vmax.f32 v9, v10;
	v13 =	vperm.xlane v6, v4  }
.Ltmp15:
0xd5: {  	v60 =	vperm.xlane v9, v4;
	v8 =	vmax.f32 v8, v11;
	v7 =	vmax.f32 v7, v12;
	(pc) =	sbr.rel @!p4 .LBB2_21-.Ltmp15, $4  }
0xd6: {  	v6 =	vmax.f32 v6, v13;
	v5 =	vsel vm8, v8, v5;
	vm8 =	veq.s32 v61, v0  }
0xd7: {  	v5 =	vsel vm8, v7, v5;
	vm8 =	veq.s32 v62, v0;
	v7 =	vmov s1  }
0xd8: {  	s30 =	sadd.s32 $0x2000, s30;
	v63 =	vmax.f32 v9, v60;
	v5 =	vsel vm8, v6, v5;
	vm8 =	veq.s32 v7, v0  }
0xd9: {  	s29 =	sadd.s32 $0x4, s29;
	s28 =	sadd.s32 $0x2, s28;
	p2 =	por !p2, !p2;
	v5 =	vsel vm8, v63, v5  }
.LBB2_15:
.Ltmp16:
0xda: {  	(pc) =	sbr.rel @!p3 .LBB2_16-.Ltmp16, $4  }
0xdb: {  	_ = 	snop  }
0xdc: {  	s12 =	sshll.u32 s31, $0x2  }
0xdd: {  	s2 =	sor.u32 $0x1, s12;
	s5 =	sor.u32 $0x2, s12  }
0xde: {  	s1 =	sshllo.u32 s31, $0x2;
	s8 =	sshll.u32 s2, $0x7;
	s9 =	sshll.u32 s5, $0x7  }
0xdf: {  	s6 =	sshll.u32 s30, $0x2;
	s10 =	sand.u32 $0x3, s28  }
0xe0: {  	s6 =	sand.u32 $0xFFFF0000, s6;
	s10 =	sshll.u32 s10, $0xA  }
0xe1: {  	s10 =	sor.u32 s10, s6  }
0xe2: {  	s10 =	sshrl.u32 s10, $0x2  }
0xe3: {  	s13 =	sadd.s32 s10, s25  }
0xe4: {  	v8 =	vld [tilespmem:s13+$0xFFFFFFF0]  }
0xe5: {  	v6 =	vld [tilespmem:s13+$0x0]  }
0xe6: {  	s10 =	simm.s32 $0x1;
	v12 =	vld [tilespmem:s13+$0xFFFFFFD0]  }
0xe7: {  	s10 =	simm.s32 @!p2 $0x0;
	v7 =	vld [tilespmem:s13+$0xFFFFFFE0]  }
0xe8: {  	v15 =	vld [tilespmem:s13+$0xFFFFFFB0];
	s10 =	sshll.u32 s10, $0xB  }
0xe9: {  	v11 =	vld [tilespmem:s13+$0xFFFFFFC0];
	s10 =	sor.u32 s10, s6  }
0xea: {  	v19 =	vld [tilespmem:s13+$0xFFFFFF90];
	s10 =	sshrl.u32 s10, $0x2  }
0xeb: {  	v13 =	vld [tilespmem:s13+$0xFFFFFFA0];
	s11 =	sadd.s32 s10, s26  }
0xec: {  	v9 =	vld [tilespmem:s11+$0x20]  }
0xed: {  	v14 =	vld [tilespmem:s11+$0x30]  }
0xee: {  	v10 =	vld [tilespmem:s11+$0x0]  }
0xef: {  	s14 =	sand.u32 $0x7, s29;
	v18 =	vld [tilespmem:s11+$0x10]  }
0xf0: {  	s10 =	sshll.u32 s14, $0x9;
	v20 =	vld [tilespmem:s11+$0xFFFFFFE0]  }
0xf1: {  	s6 =	sor.u32 s10, s6;
	v27 =	vld [tilespmem:s11+$0xFFFFFFF0]  }
0xf2: {  	v21 =	vld [tilespmem:s11+$0xFFFFFFC0];
	s6 =	sshrl.u32 s6, $0x2  }
0xf3: {  	v28 =	vld [tilespmem:s11+$0xFFFFFFD0];
	s6 =	sadd.s32 s6, s24  }
0xf4: {  	v22 =	vld [tilespmem:s6+$0xFFFFFF60]  }
0xf5: {  	v24 =	vld [tilespmem:s6+$0x60]  }
0xf6: {  	v16 =	vld [tilespmem:s6+$0xFFFFFF70]  }
0xf7: {  	v25 =	vld [tilespmem:s6+$0xFFFFFF00]  }
0xf8: {  	v26 =	vld [tilespmem:s6+$0xFFFFFF20]  }
0xf9: {  	v31 =	vld [tilespmem:s6+$0xFFFFFF40]  }
0xfa: {  	v17 =	vimm.f32 $-Inf;
	v30 =	vld [tilespmem:s6+$0x40]  }
0xfb: {  	p4 =	sne.s32 s22, $0x1;
	v23 =	vld [tilespmem:s6+$0xFFFFFF50];
	v21 =	vmax.f32 v17, v21  }
.Ltmp17:
0xfc: {  	v34 =	vld [tilespmem:s6+$0x0];
	v20 =	vmax.f32 v21, v20;
	(pc) =	sbr.rel @!p4 .LBB2_19-.Ltmp17, $4  }
0xfd: {  	v33 =	vld [tilespmem:s6+$0x20];
	v10 =	vmax.f32 v20, v10;
	v25 =	vmax.f32 v17, v25  }
0xfe: {  	v29 =	vld [tilespmem:s6+$0xFFFFFF30];
	v9 =	vmax.f32 v10, v9;
	v21 =	vmax.f32 v25, v26;
	v25 =	vimm.f32 $-Inf  }
0xff: {  	s8 =	sand.u32 $0x280, s8;
	s14 =	sshll.u32 s1, $0x7;
	v32 =	vld [tilespmem:s6+$0x10];
	v26 =	vimm.f32 $-Inf;
	v20 =	vmax.f32 v21, v31;
	v21 =	vimm.f32 $-Inf  }
0x100: {  	s10 =	sand.u32 $0x300, s9;
	s9 =	sand.u32 $0x380, s14;
	s14 =	sadd.s32 $0xFFFFFFFF, s22;
	v31 =	vld [tilespmem:s6+$0xFFFFFF10];
	v10 =	vmax.f32 v20, v22;
	v20 =	vimm.f32 $-Inf;
	v22 =	vimm.f32 $-Inf  }
.LBB2_18:
0x101: {  	p4 =	sne.s32 s14, $0x1;
	v17 =	vmax.f32 v17, v19;
	v19 =	vmax.f32 v25, v34;
	v25 =	vmax.f32 v26, v28;
	v28 =	vld [tilespmem:s6+$0x30]  }
0x102: {  	v15 =	vmax.f32 v17, v15;
	v17 =	vmax.f32 v19, v33;
	v19 =	vmax.f32 v25, v27;
	v27 =	vld [tilespmem:s6+$0x50]  }
0x103: {  	s13 =	sadd.s32 $0x400, s13;
	v12 =	vmax.f32 v15, v12;
	v15 =	vmax.f32 v17, v30;
	v18 =	vmax.f32 v19, v18;
	v19 =	vld [tilespmem:s6+$0x70]  }
0x104: {  	v17 =	vmax.f32 v12, v8;
	v8 =	vld [tilespmem:s13+$0xFFFFFFF0];
	v25 =	vmax.f32 v15, v24;
	v26 =	vmax.f32 v18, v14  }
0x105: {  	v13 =	vmax.f32 v21, v13;
	v15 =	vmax.f32 v20, v31;
	v14 =	vld [tilespmem:s13+$0x0];
	v18 =	vmax.f32 v22, v32  }
0x106: {  	v11 =	vmax.f32 v13, v11;
	v15 =	vmax.f32 v15, v29;
	v12 =	vld [tilespmem:s13+$0xFFFFFFD0];
	v13 =	vmax.f32 v18, v28  }
0x107: {  	v11 =	vmax.f32 v11, v7;
	v18 =	vmax.f32 v15, v23;
	v7 =	vld [tilespmem:s13+$0xFFFFFFE0];
	v13 =	vmax.f32 v13, v27  }
0x108: {  	v21 =	vmax.f32 v11, v6;
	v20 =	vmax.f32 v18, v16;
	v15 =	vld [tilespmem:s13+$0xFFFFFFB0];
	v22 =	vmax.f32 v13, v19  }
0x109: {  	v11 =	vld [tilespmem:s13+$0xFFFFFFC0]  }
0x10a: {  	v19 =	vld [tilespmem:s13+$0xFFFFFF90];
	v6 =	vmov v14  }
0x10b: {  	s11 =	sadd.s32 $0x400, s11;
	v13 =	vld [tilespmem:s13+$0xFFFFFFA0]  }
0x10c: {  	v35 =	vld [tilespmem:s11+$0x20]  }
0x10d: {  	v14 =	vld [tilespmem:s11+$0x30]  }
0x10e: {  	v32 =	vld [tilespmem:s11+$0x0]  }
0x10f: {  	v18 =	vld [tilespmem:s11+$0x10]  }
0x110: {  	v29 =	vld [tilespmem:s11+$0xFFFFFFE0]  }
0x111: {  	v27 =	vld [tilespmem:s11+$0xFFFFFFF0]  }
0x112: {  	v31 =	vld [tilespmem:s11+$0xFFFFFFC0]  }
0x113: {  	s6 =	sadd.s32 $0x400, s6;
	v28 =	vld [tilespmem:s11+$0xFFFFFFD0]  }
0x114: {  	v36 =	vld [tilespmem:s6+$0xFFFFFF60]  }
0x115: {  	v24 =	vld [tilespmem:s6+$0x60]  }
0x116: {  	v16 =	vld [tilespmem:s6+$0xFFFFFF70]  }
0x117: {  	v37 =	vld [tilespmem:s6+$0xFFFFFF40]  }
0x118: {  	v33 =	vld [tilespmem:s6+$0xFFFFFF00]  }
0x119: {  	v38 =	vld [tilespmem:s6+$0xFFFFFF20]  }
0x11a: {  	v30 =	vld [tilespmem:s6+$0x40]  }
0x11b: {  	v23 =	vld [tilespmem:s6+$0xFFFFFF50]  }
.Ltmp18:
0x11c: {  	v34 =	vld [tilespmem:s6+$0x0];
	(pc) =	sbr.rel @p4 .LBB2_18-.Ltmp18, $4  }
0x11d: {  	v9 =	vmax.f32 v9, v31;
	v10 =	vmax.f32 v10, v33;
	v33 =	vld [tilespmem:s6+$0x20]  }
0x11e: {  	v9 =	vmax.f32 v9, v29;
	v10 =	vmax.f32 v10, v38;
	v29 =	vld [tilespmem:s6+$0xFFFFFF30]  }
0x11f: {  	v9 =	vmax.f32 v9, v32;
	v31 =	vld [tilespmem:s6+$0xFFFFFF10];
	v10 =	vmax.f32 v10, v37  }
0x120: {  	s14 =	sadd.s32 $0xFFFFFFFF, s14;
	v9 =	vmax.f32 v9, v35;
	v32 =	vld [tilespmem:s6+$0x10];
	v10 =	vmax.f32 v10, v36  }
.LBB2_19:
0x121: {  	v17 =	vmax.f32 v17, v19;
	v58 =	vmax.f32 v25, v34;
	v59 =	vmax.f32 v26, v28;
	v60 =	vld [tilespmem:s6+$0x30]  }
0x122: {  	v62 =	vld [tilespmem:s6+$0x50];
	v13 =	vmax.f32 v21, v13;
	v15 =	vmax.f32 v17, v15;
	v17 =	vmax.f32 v58, v33  }
0x123: {  	v63 =	vld [tilespmem:s6+$0x70];
	v61 =	vmax.f32 v59, v27;
	v11 =	vmax.f32 v13, v11;
	v12 =	vmax.f32 v15, v12  }
.Ltmp19:
0x124: {  	v15 =	vmax.f32 v17, v30;
	v17 =	vmax.f32 v61, v18;
	v12 =	vmax.f32 v12, v8;
	(pc) =	sbr.rel .LBB2_20-.Ltmp19, $4  }
0x125: {  	v8 =	vmax.f32 v17, v14;
	v14 =	vmax.f32 v20, v31;
	v17 =	vmax.f32 v22, v32  }
0x126: {  	v11 =	vmax.f32 v11, v7;
	v14 =	vmax.f32 v14, v29;
	v13 =	vmax.f32 v17, v60  }
0x127: {  	v15 =	vmax.f32 v15, v24;
	v14 =	vmax.f32 v14, v23;
	v13 =	vmax.f32 v13, v62  }
0x128: {  	v6 =	vmax.f32 v11, v6;
	v7 =	vmax.f32 v14, v16;
	v11 =	vmax.f32 v13, v63  }
.LBB2_23:
0x129: {  	_ =	sfence.sel $0x180000  }
0x12a: {  	[bflag:$0x0] =	sbarrier.arrive $0xFFFF  }
0x12b: {  	_ =	strace $0x90000047  }
0x12c: {  	s0 =	stileid.u32;
	[bflag:$0x2] =	sbarrier.arrive $0xFFFF  }
0x12d: {  	p0 =	sne.s32 s0, $0x0;
	s0 =	rddreg [dreg:$0x3]  }
0x12e: {  	s0 =	sadd.s32 @!p0 $0x100000, s0  }
0x12f: {  	[sflag:s0] =	ssyncadd.tile.s32 @!p0 $0x1;
	_ =	shalt  }
.Lfunc_end2:
_tile_overlayer_lowered:
.L_overlay_start_2:
0x130: {  	(tag) =	ssettag $0x2  }
0x131: {  	s0 =	rddreg [dreg:$0x0];
	s2 =	stileid.u32  }
0x132: {  	s1 =	rddreg [dreg:$0x1];
	p0 =	sne.s32 s2, $0x0  }
0x133: {  	s3 =	rddreg [dreg:$0x2];
	[bflag:$0x3] =	sbarrier.arrive $0xFFFF;
	s2 =	simm.s32 @!p0 $0x1C04  }
0x134: {  	[timem:s3], [sflag:s2] =	dma.local @!p0 [hbm:s0], s1  }
0x135: {  	s0 =	simm.s32 @!p0 $0x4  }
0x136: {  	_ =	swait.ge @!p0 [sflag:s0], s1  }
0x137: {  	s1 =	ssub.s32 @!p0 $0x0, s1;
	[sflag:s0] =	ssyncset.done @!p0 $0x0  }
0x138: {  	[sflag:s0] =	ssyncadd.s32 @!p0 s1  }
0x139: {  	[bflag:$0x3] =	sbarrier.arrive $0xFFFF  }
0x13a: {  	_ =	shalt  }

</sc_bundles>
